<compile_context>
chip_gen: v7x
topology: tpu7x:2x2x1
jax: 0.10.2.dev20260603
libtpu: 0.0.44.dev20260713+nightly
codegen_flags: <defaults>
</compile_context>

<pallas_src>
import functools

import jax
import jax.numpy as jnp
from jax import lax
from jax.experimental import pallas as pl
from jax.experimental.pallas import tpu as pltpu
from jax.experimental.pallas import tpu_sc as plsc

D = 128
CH = 128
NC = 2
NS = 16


def _sc_aggregate(x, src_p, dst_p, n, dgp, nch0, nch1):
    eb0 = nch0 * CH
    eb1 = nch1 * CH
    nacc = ((n + 1) + 127) // 128 * 128
    zr = nacc // NS
    wr = (n // NS) // 8 * 8
    wlast = n - (NS - 1) * wr

    mesh = plsc.VectorSubcoreMesh(core_axis_name="c", subcore_axis_name="s")

    @functools.partial(
        pl.kernel,
        mesh=mesh,
        compiler_params=pltpu.CompilerParams(needs_layout_passes=False),
        out_type=[
            jax.ShapeDtypeStruct((NC * n, D), jnp.float32),
            jax.ShapeDtypeStruct((NC * dgp, D), jnp.float32),
        ],
        scratch_types=[
            pltpu.VMEM((CH,), jnp.int32),
            pltpu.VMEM((CH,), jnp.int32),
            pltpu.VMEM((CH,), jnp.int32),
            pltpu.VMEM((CH,), jnp.int32),
            pltpu.VMEM((dgp,), jnp.int32),
            pltpu.VMEM((CH, D), jnp.float32),
            pltpu.VMEM((CH, D), jnp.float32),
            pltpu.VMEM((dgp, D), jnp.float32),
            pltpu.VMEM_SHARED((nacc, D), jnp.float32),
            pltpu.VMEM_SHARED((dgp, D), jnp.float32),
            pltpu.SemaphoreType.DMA,
            pltpu.SemaphoreType.DMA,
            pltpu.SemaphoreType.DMA,
            pltpu.SemaphoreType.DMA,
            pltpu.SemaphoreType.DMA,
            pltpu.SemaphoreType.DMA,
        ],
    )
    def agg(x_hbm, src_hbm, dst_hbm, sums_out, degs_out,
            idx_s0, idx_d0, idx_s1, idx_d1, rowid, rows0, rows1,
            dgrid, acc, dacc, sem0, sem1, semis0, semis1, semid0, semid1):
        c = lax.axis_index("c")
        s = lax.axis_index("s")

        def fill_zero(i, carry):
            r = i // (D // 16)
            j = (i % (D // 16)) * 16
            rows0[r, pl.ds(j, 16)] = jnp.zeros((16,), jnp.float32)
            return carry
        lax.fori_loop(0, CH * (D // 16), fill_zero, 0)

        def fill_zero_grid(i, carry):
            r = i // (D // 16)
            j = (i % (D // 16)) * 16
            dgrid[r, pl.ds(j, 16)] = jnp.zeros((16,), jnp.float32)
            return carry
        lax.fori_loop(0, dgp * (D // 16), fill_zero_grid, 0)

        for k in range(dgp // 16):
            rowid[pl.ds(k * 16, 16)] = lax.iota(jnp.int32, 16) + (k * 16)

        zbase = s * zr
        zsegs = []
        off = 0
        while off < zr:
            stp = min(CH, zr - off)
            zsegs.append((off, stp))
            off += stp
        for zo, stp in zsegs:
            pltpu.async_copy(rows0.at[pl.ds(0, stp)],
                             acc.at[pl.ds(zbase + zo, stp)], sem0)
        for zo, stp in zsegs:
            pltpu.make_async_copy(rows0.at[pl.ds(0, stp)],
                                  acc.at[pl.ds(zbase + zo, stp)], sem0).wait()

        @pl.when(s == 0)
        def _():
            pltpu.sync_copy(rows0.at[pl.ds(0, dgp)], dacc)

        plsc.subcore_barrier()

        one16 = jnp.ones((16,), jnp.float32)

        def run_edges(base, nch):
            def issue_src(g, isv, sm):
                pltpu.async_copy(
                    src_hbm.at[pl.ds(base + g * CH, CH)], isv, sm)

            def wait_src(g, isv, sm):
                pltpu.make_async_copy(
                    src_hbm.at[pl.ds(base + g * CH, CH)], isv, sm).wait()

            def issue_dst(g, idv, sm):
                pltpu.async_copy(
                    dst_hbm.at[pl.ds(base + g * CH, CH)], idv, sm)

            def wait_dst(g, idv, sm):
                pltpu.make_async_copy(
                    dst_hbm.at[pl.ds(base + g * CH, CH)], idv, sm).wait()

            def start_gather(isv, rw, sm):
                pltpu.async_copy(x_hbm.at[isv], rw, sm)

            def step(g, isv, idv, rw, sm, smis, smid):
                wait_dst(g, idv, smid)
                for k in range(CH // 16):
                    dv = idv[pl.ds(k * 16, 16)]
                    rowv = lax.shift_right_logical(dv, 7)
                    colv = lax.bitwise_and(dv, 127)
                    plsc.addupdate_scatter(dgrid, [rowv, colv], one16)
                pltpu.make_async_copy(x_hbm.at[isv], rw, sm).wait()

                @pl.when(g + 2 < nch)
                def _():
                    issue_src(g + 2, isv, smis)

                pltpu.sync_copy(rw, acc.at[idv], add=True)

                @pl.when(g + 2 < nch)
                def _():
                    issue_dst(g + 2, idv, smid)
                    wait_src(g + 2, isv, smis)
                    start_gather(isv, rw, sm)

            issue_src(0, idx_s0, semis0)
            issue_dst(0, idx_d0, semid0)
            if nch > 1:
                issue_src(1, idx_s1, semis1)
                issue_dst(1, idx_d1, semid1)
            wait_src(0, idx_s0, semis0)
            start_gather(idx_s0, rows0, sem0)
            if nch > 1:
                wait_src(1, idx_s1, semis1)
                start_gather(idx_s1, rows1, sem1)

            def pair(t, carry):
                g = 2 * t
                step(g, idx_s0, idx_d0, rows0, sem0, semis0, semid0)
                step(g + 1, idx_s1, idx_d1, rows1, sem1, semis1, semid1)
                return carry
            lax.fori_loop(0, nch // 2, pair, 0)
            if nch % 2:
                step(nch - 1, idx_s0, idx_d0, rows0, sem0, semis0, semid0)

            pltpu.sync_copy(dgrid, dacc.at[rowid], add=True)

        @pl.when(c == 0)
        def _():
            run_edges(s * eb0, nch0)

        @pl.when(c == 1)
        def _():
            run_edges(NS * eb0 + s * eb1, nch1)

        plsc.subcore_barrier()

        @pl.when(s < NS - 1)
        def _():
            pltpu.sync_copy(acc.at[pl.ds(s * wr, wr)],
                            sums_out.at[pl.ds(c * n + s * wr, wr)])

        @pl.when(s == NS - 1)
        def _():
            wbase = (NS - 1) * wr
            pltpu.sync_copy(acc.at[pl.ds(wbase, wlast)],
                            sums_out.at[pl.ds(c * n + wbase, wlast)])

        @pl.when(s == 1)
        def _():
            pltpu.sync_copy(dacc, degs_out.at[pl.ds(c * dgp, dgp)])

    return agg(x, src_p, dst_p)


def _tc_finish(x, sums, d0, d1, wt, b2, n):
    blk = 1000
    grid = (n // blk,)

    def body(x_ref, s0_ref, s1_ref, d0_ref, d1_ref, wt_ref, b_ref, o_ref):
        deg = d0_ref[...] + d1_ref[...]
        neigh = (s0_ref[...] + s1_ref[...]) / jnp.maximum(deg, 1.0)
        o_ref[...] = (
            jnp.dot(x_ref[...], wt_ref[0:D, :],
                    preferred_element_type=jnp.float32)
            + jnp.dot(neigh, wt_ref[D:2 * D, :],
                      preferred_element_type=jnp.float32)
            + b_ref[...]
        )

    return pl.pallas_call(
        body,
        grid=grid,
        in_specs=[
            pl.BlockSpec((blk, D), lambda i: (i, 0)),
            pl.BlockSpec((blk, D), lambda i: (i, 0)),
            pl.BlockSpec((blk, D), lambda i: (i, 0)),
            pl.BlockSpec((blk, 1), lambda i: (i, 0)),
            pl.BlockSpec((blk, 1), lambda i: (i, 0)),
            pl.BlockSpec((2 * D, D), lambda i: (0, 0)),
            pl.BlockSpec((1, D), lambda i: (0, 0)),
        ],
        out_specs=pl.BlockSpec((blk, D), lambda i: (i, 0)),
        out_shape=jax.ShapeDtypeStruct((n, D), jnp.float32),
    )(x, sums[:n], sums[n:], d0, d1, wt, b2)


def kernel(x, edge_index, W, b):
    n = x.shape[0]
    e = edge_index.shape[1]
    src = edge_index[0]
    dst = edge_index[1]

    nch1 = 1
    ncht = -(-e // (NS * CH))
    nch0 = max(ncht - nch1, 1)
    epad = NS * CH * (nch0 + nch1)
    pad = epad - e
    if pad:
        src = jnp.concatenate([src, jnp.zeros((pad,), jnp.int32)])
        dst = jnp.concatenate([dst, jnp.full((pad,), n, jnp.int32)])

    dgp = (((n + 1) + 127) // 128 + 7) // 8 * 8
    sums, degs = _sc_aggregate(x, src, dst, n, dgp, nch0, nch1)
    d0 = degs[:dgp].reshape(dgp * D, 1)
    d1 = degs[dgp:].reshape(dgp * D, 1)
    wt = W.T
    b2 = b.reshape(1, D)
    return _tc_finish(x, sums, d0, d1, wt, b2, n)

# --- scband reference (transcript-rebuilt; emitter-appended) ---
"""Pipeline reference for scband-sageconv-11656541241918 (READ-ONLY COPY).

The authoritative reference and input builder live on the scoring server;
editing this copy changes nothing except your own understanding.
"""

import jax, jax.numpy as jnp
import numpy as np

N = 10000
E = 320000
D_IN = 128
D_OUT = 128

def setup_inputs(seed: int = 0) -> dict:
    key = jax.random.key(seed)
    k1, k2, k3, k4 = jax.random.split(key, 4)
    x = jax.random.normal(k1, (N, D_IN), dtype=jnp.float32)
    edge_index = jax.random.randint(k2, (2, E), 0, N, dtype=jnp.int32)
    # fc: Linear(in_src + in_dst -> out) = Linear(256 -> 128)
    W = jax.random.normal(k3, (D_OUT, 2 * D_IN), dtype=jnp.float32) * 0.05
    b = jax.random.normal(k4, (D_OUT,), dtype=jnp.float32) * 0.05
    return {"x": x, "edge_index": edge_index, "W": W, "b": b}

def reference(x, edge_index, W, b):
    # SAGEConv forward (dropout p=0 -> identity; activation None -> identity, norm identity)
    src = edge_index[0]
    dst = edge_index[1]
    # message: gather source features along edges
    msgs = jnp.take(x, src, axis=0)                                   # [E, D_IN]
    # reduce: mean of mailbox per destination node
    summed = jax.ops.segment_sum(msgs, dst, num_segments=N)           # [N, D_IN]
    deg = jax.ops.segment_sum(jnp.ones((E,), dtype=jnp.float32), dst, num_segments=N)
    neigh = summed / jnp.maximum(deg, 1.0)[:, None]                   # zero-degree nodes stay 0
    # apply_node: concat(h_dst, neigh) -> fc -> activation(identity) -> norm(identity)
    h = jnp.concatenate([x, neigh], axis=-1)                          # [N, 2*D_IN]
    out = h @ W.T + b                                                  # [N, D_OUT]
    return out

if __name__ == "__main__":
    import jax
    _d = setup_inputs()
    print(jax.jit(kernel)(*tuple(_d.values())))

</pallas_src>

<mosaic_0001>
#map = affine_map<(d0, d1) -> (0, 0)>
#map1 = affine_map<(d0, d1) -> (0)>
module attributes {stable_mosaic.version = 14 : i64} {
  func.func @agg(%arg0: i32, %arg1: i32, %arg2: memref<10000x128xf32, #tpu.memory_space<hbm>>, %arg3: memref<321536xi32, #tpu.memory_space<hbm>>, %arg4: memref<321536xi32, #tpu.memory_space<hbm>>, %arg5: memref<20000x128xf32, #tpu.memory_space<hbm>>, %arg6: memref<160x128xf32, #tpu.memory_space<hbm>>, %arg7: memref<128xi32, #tpu.memory_space<vmem>>, %arg8: memref<128xi32, #tpu.memory_space<vmem>>, %arg9: memref<128xi32, #tpu.memory_space<vmem>>, %arg10: memref<128xi32, #tpu.memory_space<vmem>>, %arg11: memref<80xi32, #tpu.memory_space<vmem>>, %arg12: memref<128x128xf32, #tpu.memory_space<vmem>>, %arg13: memref<128x128xf32, #tpu.memory_space<vmem>>, %arg14: memref<80x128xf32, #tpu.memory_space<vmem>>, %arg15: memref<10112x128xf32, #tpu.memory_space<vmem_shared>>, %arg16: memref<80x128xf32, #tpu.memory_space<vmem_shared>>, %arg17: memref<!tpu.dma_semaphore, #tpu.memory_space<semaphore_mem>>, %arg18: memref<!tpu.dma_semaphore, #tpu.memory_space<semaphore_mem>>, %arg19: memref<!tpu.dma_semaphore, #tpu.memory_space<semaphore_mem>>, %arg20: memref<!tpu.dma_semaphore, #tpu.memory_space<semaphore_mem>>, %arg21: memref<!tpu.dma_semaphore, #tpu.memory_space<semaphore_mem>>, %arg22: memref<!tpu.dma_semaphore, #tpu.memory_space<semaphore_mem>>) attributes {dimension_semantics = [#tpu.dimension_semantics<core_parallel>, #tpu.dimension_semantics<subcore_parallel>], iteration_bounds = array<i64: 2, 16>, scalar_prefetch = 0 : i64, scratch_operands = 16 : i64, tpu.core_type = #tpu.core_type<sc_vector_subcore>, window_params = [{transform_indices = #map}, {transform_indices = #map1}, {transform_indices = #map1}, {transform_indices = #map}, {transform_indices = #map}]} {
    %scan3A = arith.constant 0 : i32
    %scan3A_0 = arith.constant 0 : i32
    %scan3A_1 = arith.constant 1024 : i32
    %scan3A_2 = arith.addi %scan3A_0, %scan3A_1 : i32
    %scan3A_3 = arith.constant 1 : i32
    scf.for %scan3A_185 = %scan3A_0 to %scan3A_2 step %scan3A_3  : i32 {
      %jit3A = arith.constant 8 : i32
      %div3A = arith.divsi %scan3A_185, %jit3A : i32
      %sign3A = arith.constant 0 : i32
      %sign3A_186 = arith.cmpi sgt, %scan3A_185, %sign3A : i32
      %sign3A_187 = arith.extui %sign3A_186 : i1 to i32
      %sign3A_188 = arith.constant 0 : i32
      %sign3A_189 = arith.cmpi slt, %scan3A_185, %sign3A_188 : i32
      %sign3A_190 = arith.extui %sign3A_189 : i1 to i32
      %sign3A_191 = arith.subi %sign3A_187, %sign3A_190 : i32
      %sign3A_192 = arith.constant 0 : i32
      %sign3A_193 = arith.cmpi sgt, %jit3A, %sign3A_192 : i32
      %sign3A_194 = arith.extui %sign3A_193 : i1 to i32
      %sign3A_195 = arith.constant 0 : i32
      %sign3A_196 = arith.cmpi slt, %jit3A, %sign3A_195 : i32
      %sign3A_197 = arith.extui %sign3A_196 : i1 to i32
      %sign3A_198 = arith.subi %sign3A_194, %sign3A_197 : i32
      %ne3A = arith.cmpi ne, %sign3A_191, %sign3A_198 : i32
      %rem3A = arith.remsi %scan3A_185, %jit3A : i32
      %ne3A_199 = arith.constant 0 : i32
      %ne3A_200 = arith.cmpi ne, %rem3A, %ne3A_199 : i32
      %and3A = arith.andi %ne3A, %ne3A_200 : i1
      %sub3A = arith.constant 1 : i32
      %sub3A_201 = arith.subi %div3A, %sub3A : i32
      %select_n3A = arith.select %and3A, %sub3A_201, %div3A : i32
      %jit3A_202 = arith.constant 8 : i32
      %eq3A_203 = arith.constant 0 : i32
      %eq3A_204 = arith.cmpi eq, %jit3A_202, %eq3A_203 : i32
      %jit3A_205 = arith.constant 1 : i32
      %select_n3A_206 = arith.select %eq3A_204, %jit3A_205, %jit3A_202 : i32
      %rem3A_207 = arith.remsi %scan3A_185, %select_n3A_206 : i32
      %ne3A_208 = arith.constant 0 : i32
      %ne3A_209 = arith.cmpi ne, %rem3A_207, %ne3A_208 : i32
      %lt3A_210 = arith.constant 0 : i32
      %lt3A_211 = arith.cmpi slt, %rem3A_207, %lt3A_210 : i32
      %lt3A_212 = arith.constant 0 : i32
      %lt3A_213 = arith.cmpi slt, %select_n3A_206, %lt3A_212 : i32
      %ne3A_214 = arith.xori %lt3A_211, %lt3A_213 : i1
      %and3A_215 = arith.andi %ne3A_214, %ne3A_209 : i1
      %add3A_216 = arith.addi %rem3A_207, %select_n3A_206 : i32
      %select_n3A_217 = arith.select %and3A_215, %add3A_216, %rem3A_207 : i32
      %mul3A_218 = arith.constant 16 : i32
      %mul3A_219 = arith.muli %select_n3A_217, %mul3A_218 : i32
      %broadcast_in_dim3A_220 = arith.constant 0.000000e+00 : f32
      %broadcast_in_dim3A_221 = vector.broadcast %broadcast_in_dim3A_220 : f32 to vector<16xf32>
      %swap3A_222 = arith.index_cast %select_n3A : i32 to index
      %swap3A_223 = arith.index_cast %mul3A_219 : i32 to index
      %swap3A_224 = tpu.vector_load %arg12[%swap3A_222, %swap3A_223] {strides = array<i32>} : memref<128x128xf32, #tpu.memory_space<vmem>>, vector<16xf32>,
      tpu.vector_store %arg12[%swap3A_222, %swap3A_223], %broadcast_in_dim3A_221 {strides = array<i32>} : memref<128x128xf32, #tpu.memory_space<vmem>>, vector<16xf32>,
    }
    %scan3A_4 = arith.constant 1024 : i32
    %scan3A_5 = arith.constant 0 : i32
    %scan3A_6 = arith.constant 0 : i32
    %scan3A_7 = arith.constant 640 : i32
    %scan3A_8 = arith.addi %scan3A_6, %scan3A_7 : i32
    %scan3A_9 = arith.constant 1 : i32
    scf.for %scan3A_185 = %scan3A_6 to %scan3A_8 step %scan3A_9  : i32 {
      %jit3A = arith.constant 8 : i32
      %div3A = arith.divsi %scan3A_185, %jit3A : i32
      %sign3A = arith.constant 0 : i32
      %sign3A_186 = arith.cmpi sgt, %scan3A_185, %sign3A : i32
      %sign3A_187 = arith.extui %sign3A_186 : i1 to i32
      %sign3A_188 = arith.constant 0 : i32
      %sign3A_189 = arith.cmpi slt, %scan3A_185, %sign3A_188 : i32
      %sign3A_190 = arith.extui %sign3A_189 : i1 to i32
      %sign3A_191 = arith.subi %sign3A_187, %sign3A_190 : i32
      %sign3A_192 = arith.constant 0 : i32
      %sign3A_193 = arith.cmpi sgt, %jit3A, %sign3A_192 : i32
      %sign3A_194 = arith.extui %sign3A_193 : i1 to i32
      %sign3A_195 = arith.constant 0 : i32
      %sign3A_196 = arith.cmpi slt, %jit3A, %sign3A_195 : i32
      %sign3A_197 = arith.extui %sign3A_196 : i1 to i32
      %sign3A_198 = arith.subi %sign3A_194, %sign3A_197 : i32
      %ne3A = arith.cmpi ne, %sign3A_191, %sign3A_198 : i32
      %rem3A = arith.remsi %scan3A_185, %jit3A : i32
      %ne3A_199 = arith.constant 0 : i32
      %ne3A_200 = arith.cmpi ne, %rem3A, %ne3A_199 : i32
      %and3A = arith.andi %ne3A, %ne3A_200 : i1
      %sub3A = arith.constant 1 : i32
      %sub3A_201 = arith.subi %div3A, %sub3A : i32
      %select_n3A = arith.select %and3A, %sub3A_201, %div3A : i32
      %jit3A_202 = arith.constant 8 : i32
      %eq3A_203 = arith.constant 0 : i32
      %eq3A_204 = arith.cmpi eq, %jit3A_202, %eq3A_203 : i32
      %jit3A_205 = arith.constant 1 : i32
      %select_n3A_206 = arith.select %eq3A_204, %jit3A_205, %jit3A_202 : i32
      %rem3A_207 = arith.remsi %scan3A_185, %select_n3A_206 : i32
      %ne3A_208 = arith.constant 0 : i32
      %ne3A_209 = arith.cmpi ne, %rem3A_207, %ne3A_208 : i32
      %lt3A_210 = arith.constant 0 : i32
      %lt3A_211 = arith.cmpi slt, %rem3A_207, %lt3A_210 : i32
      %lt3A_212 = arith.constant 0 : i32
      %lt3A_213 = arith.cmpi slt, %select_n3A_206, %lt3A_212 : i32
      %ne3A_214 = arith.xori %lt3A_211, %lt3A_213 : i1
      %and3A_215 = arith.andi %ne3A_214, %ne3A_209 : i1
      %add3A_216 = arith.addi %rem3A_207, %select_n3A_206 : i32
      %select_n3A_217 = arith.select %and3A_215, %add3A_216, %rem3A_207 : i32
      %mul3A_218 = arith.constant 16 : i32
      %mul3A_219 = arith.muli %select_n3A_217, %mul3A_218 : i32
      %broadcast_in_dim3A_220 = arith.constant 0.000000e+00 : f32
      %broadcast_in_dim3A_221 = vector.broadcast %broadcast_in_dim3A_220 : f32 to vector<16xf32>
      %swap3A_222 = arith.index_cast %select_n3A : i32 to index
      %swap3A_223 = arith.index_cast %mul3A_219 : i32 to index
      %swap3A_224 = tpu.vector_load %arg14[%swap3A_222, %swap3A_223] {strides = array<i32>} : memref<80x128xf32, #tpu.memory_space<vmem>>, vector<16xf32>,
      tpu.vector_store %arg14[%swap3A_222, %swap3A_223], %broadcast_in_dim3A_221 {strides = array<i32>} : memref<80x128xf32, #tpu.memory_space<vmem>>, vector<16xf32>,
    }
    %scan3A_10 = arith.constant 640 : i32
    %iota3A = tpu.iota {dimensions = array<i32: 0>} : vector<16xi32>
    %add3A = arith.constant 0 : i32
    %add3A_11 = vector.broadcast %add3A : i32 to vector<16xi32>
    %add3A_12 = arith.addi %iota3A, %add3A_11 : vector<16xi32>
    %swap3A = arith.constant 0 : index
    %swap3A_13 = tpu.vector_load %arg11[%swap3A] {strides = array<i32>} : memref<80xi32, #tpu.memory_space<vmem>>, vector<16xi32>,
    tpu.vector_store %arg11[%swap3A], %add3A_12 {strides = array<i32>} : memref<80xi32, #tpu.memory_space<vmem>>, vector<16xi32>,
    %iota3A_14 = tpu.iota {dimensions = array<i32: 0>} : vector<16xi32>
    %add3A_15 = arith.constant 16 : i32
    %add3A_16 = vector.broadcast %add3A_15 : i32 to vector<16xi32>
    %add3A_17 = arith.addi %iota3A_14, %add3A_16 : vector<16xi32>
    %swap3A_18 = arith.constant 16 : index
    %swap3A_19 = tpu.vector_load %arg11[%swap3A_18] {strides = array<i32>} : memref<80xi32, #tpu.memory_space<vmem>>, vector<16xi32>,
    tpu.vector_store %arg11[%swap3A_18], %add3A_17 {strides = array<i32>} : memref<80xi32, #tpu.memory_space<vmem>>, vector<16xi32>,
    %iota3A_20 = tpu.iota {dimensions = array<i32: 0>} : vector<16xi32>
    %add3A_21 = arith.constant 32 : i32
    %add3A_22 = vector.broadcast %add3A_21 : i32 to vector<16xi32>
    %add3A_23 = arith.addi %iota3A_20, %add3A_22 : vector<16xi32>
    %swap3A_24 = arith.constant 32 : index
    %swap3A_25 = tpu.vector_load %arg11[%swap3A_24] {strides = array<i32>} : memref<80xi32, #tpu.memory_space<vmem>>, vector<16xi32>,
    tpu.vector_store %arg11[%swap3A_24], %add3A_23 {strides = array<i32>} : memref<80xi32, #tpu.memory_space<vmem>>, vector<16xi32>,
    %iota3A_26 = tpu.iota {dimensions = array<i32: 0>} : vector<16xi32>
    %add3A_27 = arith.constant 48 : i32
    %add3A_28 = vector.broadcast %add3A_27 : i32 to vector<16xi32>
    %add3A_29 = arith.addi %iota3A_26, %add3A_28 : vector<16xi32>
    %swap3A_30 = arith.constant 48 : index
    %swap3A_31 = tpu.vector_load %arg11[%swap3A_30] {strides = array<i32>} : memref<80xi32, #tpu.memory_space<vmem>>, vector<16xi32>,
    tpu.vector_store %arg11[%swap3A_30], %add3A_29 {strides = array<i32>} : memref<80xi32, #tpu.memory_space<vmem>>, vector<16xi32>,
    %iota3A_32 = tpu.iota {dimensions = array<i32: 0>} : vector<16xi32>
    %add3A_33 = arith.constant 64 : i32
    %add3A_34 = vector.broadcast %add3A_33 : i32 to vector<16xi32>
    %add3A_35 = arith.addi %iota3A_32, %add3A_34 : vector<16xi32>
    %swap3A_36 = arith.constant 64 : index
    %swap3A_37 = tpu.vector_load %arg11[%swap3A_36] {strides = array<i32>} : memref<80xi32, #tpu.memory_space<vmem>>, vector<16xi32>,
    tpu.vector_store %arg11[%swap3A_36], %add3A_35 {strides = array<i32>} : memref<80xi32, #tpu.memory_space<vmem>>, vector<16xi32>,
    %mul3A = arith.constant 632 : i32
    %mul3A_38 = arith.muli %arg1, %mul3A : i32
    %add3A_39 = arith.constant 0 : i32
    %add3A_40 = arith.addi %mul3A_38, %add3A_39 : i32
    %dma_start3A = arith.constant 0 : i32
    %dma_start3A_41 = arith.constant 0 : i32
    %dma_start3A_42 = tpu.memref_slice %arg12[%dma_start3A, %dma_start3A_41] : memref<128x128xf32, #tpu.memory_space<vmem>> -> memref<128x128xf32, #tpu.memory_space<vmem>>
    %dma_start3A_43 = arith.constant 0 : i32
    %dma_start3A_44 = tpu.memref_slice %arg15[%add3A_40, %dma_start3A_43] : memref<10112x128xf32, #tpu.memory_space<vmem_shared>> -> memref<128x128xf32, #tpu.memory_space<vmem_shared>>
    %dma_start3A_45 = arith.constant 0 : i32
    %dma_start3A_46 = tpu.memref_slice %arg15[%add3A_40, %dma_start3A_45] : memref<10112x128xf32, #tpu.memory_space<vmem_shared>> -> memref<128x128xf32, #tpu.memory_space<vmem_shared>>
    %dma_start3A_47 = arith.constant 0 : i32
    %dma_start3A_48 = arith.constant 0 : i32
    %dma_start3A_49 = tpu.memref_slice %arg12[%dma_start3A_47, %dma_start3A_48] : memref<128x128xf32, #tpu.memory_space<vmem>> -> memref<128x128xf32, #tpu.memory_space<vmem>>
    tpu.enqueue_dma source(%dma_start3A_49 : memref<128x128xf32, #tpu.memory_space<vmem>>) target(%dma_start3A_46 : memref<128x128xf32, #tpu.memory_space<vmem_shared>>) target_semaphore(%arg17 : memref<!tpu.dma_semaphore, #tpu.memory_space<semaphore_mem>>)
    %add3A_50 = arith.constant 128 : i32
    %add3A_51 = arith.addi %mul3A_38, %add3A_50 : i32
    %dma_start3A_52 = arith.constant 0 : i32
    %dma_start3A_53 = arith.constant 0 : i32
    %dma_start3A_54 = tpu.memref_slice %arg12[%dma_start3A_52, %dma_start3A_53] : memref<128x128xf32, #tpu.memory_space<vmem>> -> memref<128x128xf32, #tpu.memory_space<vmem>>
    %dma_start3A_55 = arith.constant 0 : i32
    %dma_start3A_56 = tpu.memref_slice %arg15[%add3A_51, %dma_start3A_55] : memref<10112x128xf32, #tpu.memory_space<vmem_shared>> -> memref<128x128xf32, #tpu.memory_space<vmem_shared>>
    %dma_start3A_57 = arith.constant 0 : i32
    %dma_start3A_58 = tpu.memref_slice %arg15[%add3A_51, %dma_start3A_57] : memref<10112x128xf32, #tpu.memory_space<vmem_shared>> -> memref<128x128xf32, #tpu.memory_space<vmem_shared>>
    %dma_start3A_59 = arith.constant 0 : i32
    %dma_start3A_60 = arith.constant 0 : i32
    %dma_start3A_61 = tpu.memref_slice %arg12[%dma_start3A_59, %dma_start3A_60] : memref<128x128xf32, #tpu.memory_space<vmem>> -> memref<128x128xf32, #tpu.memory_space<vmem>>
    tpu.enqueue_dma source(%dma_start3A_61 : memref<128x128xf32, #tpu.memory_space<vmem>>) target(%dma_start3A_58 : memref<128x128xf32, #tpu.memory_space<vmem_shared>>) target_semaphore(%arg17 : memref<!tpu.dma_semaphore, #tpu.memory_space<semaphore_mem>>)
    %add3A_62 = arith.constant 256 : i32
    %add3A_63 = arith.addi %mul3A_38, %add3A_62 : i32
    %dma_start3A_64 = arith.constant 0 : i32
    %dma_start3A_65 = arith.constant 0 : i32
    %dma_start3A_66 = tpu.memref_slice %arg12[%dma_start3A_64, %dma_start3A_65] : memref<128x128xf32, #tpu.memory_space<vmem>> -> memref<128x128xf32, #tpu.memory_space<vmem>>
    %dma_start3A_67 = arith.constant 0 : i32
    %dma_start3A_68 = tpu.memref_slice %arg15[%add3A_63, %dma_start3A_67] : memref<10112x128xf32, #tpu.memory_space<vmem_shared>> -> memref<128x128xf32, #tpu.memory_space<vmem_shared>>
    %dma_start3A_69 = arith.constant 0 : i32
    %dma_start3A_70 = tpu.memref_slice %arg15[%add3A_63, %dma_start3A_69] : memref<10112x128xf32, #tpu.memory_space<vmem_shared>> -> memref<128x128xf32, #tpu.memory_space<vmem_shared>>
    %dma_start3A_71 = arith.constant 0 : i32
    %dma_start3A_72 = arith.constant 0 : i32
    %dma_start3A_73 = tpu.memref_slice %arg12[%dma_start3A_71, %dma_start3A_72] : memref<128x128xf32, #tpu.memory_space<vmem>> -> memref<128x128xf32, #tpu.memory_space<vmem>>
    tpu.enqueue_dma source(%dma_start3A_73 : memref<128x128xf32, #tpu.memory_space<vmem>>) target(%dma_start3A_70 : memref<128x128xf32, #tpu.memory_space<vmem_shared>>) target_semaphore(%arg17 : memref<!tpu.dma_semaphore, #tpu.memory_space<semaphore_mem>>)
    %add3A_74 = arith.constant 384 : i32
    %add3A_75 = arith.addi %mul3A_38, %add3A_74 : i32
    %dma_start3A_76 = arith.constant 0 : i32
    %dma_start3A_77 = arith.constant 0 : i32
    %dma_start3A_78 = tpu.memref_slice %arg12[%dma_start3A_76, %dma_start3A_77] : memref<128x128xf32, #tpu.memory_space<vmem>> -> memref<128x128xf32, #tpu.memory_space<vmem>>
    %dma_start3A_79 = arith.constant 0 : i32
    %dma_start3A_80 = tpu.memref_slice %arg15[%add3A_75, %dma_start3A_79] : memref<10112x128xf32, #tpu.memory_space<vmem_shared>> -> memref<128x128xf32, #tpu.memory_space<vmem_shared>>
    %dma_start3A_81 = arith.constant 0 : i32
    %dma_start3A_82 = tpu.memref_slice %arg15[%add3A_75, %dma_start3A_81] : memref<10112x128xf32, #tpu.memory_space<vmem_shared>> -> memref<128x128xf32, #tpu.memory_space<vmem_shared>>
    %dma_start3A_83 = arith.constant 0 : i32
    %dma_start3A_84 = arith.constant 0 : i32
    %dma_start3A_85 = tpu.memref_slice %arg12[%dma_start3A_83, %dma_start3A_84] : memref<128x128xf32, #tpu.memory_space<vmem>> -> memref<128x128xf32, #tpu.memory_space<vmem>>
    tpu.enqueue_dma source(%dma_start3A_85 : memref<128x128xf32, #tpu.memory_space<vmem>>) target(%dma_start3A_82 : memref<128x128xf32, #tpu.memory_space<vmem_shared>>) target_semaphore(%arg17 : memref<!tpu.dma_semaphore, #tpu.memory_space<semaphore_mem>>)
    %add3A_86 = arith.constant 512 : i32
    %add3A_87 = arith.addi %mul3A_38, %add3A_86 : i32
    %dma_start3A_88 = arith.constant 0 : i32
    %dma_start3A_89 = arith.constant 0 : i32
    %dma_start3A_90 = tpu.memref_slice %arg12[%dma_start3A_88, %dma_start3A_89] : memref<128x128xf32, #tpu.memory_space<vmem>> -> memref<120x128xf32, #tpu.memory_space<vmem>>
    %dma_start3A_91 = arith.constant 0 : i32
    %dma_start3A_92 = tpu.memref_slice %arg15[%add3A_87, %dma_start3A_91] : memref<10112x128xf32, #tpu.memory_space<vmem_shared>> -> memref<120x128xf32, #tpu.memory_space<vmem_shared>>
    %dma_start3A_93 = arith.constant 0 : i32
    %dma_start3A_94 = tpu.memref_slice %arg15[%add3A_87, %dma_start3A_93] : memref<10112x128xf32, #tpu.memory_space<vmem_shared>> -> memref<120x128xf32, #tpu.memory_space<vmem_shared>>
    %dma_start3A_95 = arith.constant 0 : i32
    %dma_start3A_96 = arith.constant 0 : i32
    %dma_start3A_97 = tpu.memref_slice %arg12[%dma_start3A_95, %dma_start3A_96] : memref<128x128xf32, #tpu.memory_space<vmem>> -> memref<120x128xf32, #tpu.memory_space<vmem>>
    tpu.enqueue_dma source(%dma_start3A_97 : memref<120x128xf32, #tpu.memory_space<vmem>>) target(%dma_start3A_94 : memref<120x128xf32, #tpu.memory_space<vmem_shared>>) target_semaphore(%arg17 : memref<!tpu.dma_semaphore, #tpu.memory_space<semaphore_mem>>)
    %add3A_98 = arith.constant 0 : i32
    %add3A_99 = arith.addi %mul3A_38, %add3A_98 : i32
    %dma_wait3A = arith.constant 0 : i32
    %dma_wait3A_100 = arith.constant 0 : i32
    %dma_wait3A_101 = tpu.memref_slice %arg12[%dma_wait3A, %dma_wait3A_100] : memref<128x128xf32, #tpu.memory_space<vmem>> -> memref<128x128xf32, #tpu.memory_space<vmem>>
    %dma_wait3A_102 = arith.constant 0 : i32
    %dma_wait3A_103 = tpu.memref_slice %arg15[%add3A_99, %dma_wait3A_102] : memref<10112x128xf32, #tpu.memory_space<vmem_shared>> -> memref<128x128xf32, #tpu.memory_space<vmem_shared>>
    %dma_wait3A_104 = arith.constant 0 : i32
    %dma_wait3A_105 = tpu.memref_slice %arg15[%add3A_99, %dma_wait3A_104] : memref<10112x128xf32, #tpu.memory_space<vmem_shared>> -> memref<128x128xf32, #tpu.memory_space<vmem_shared>>
    %dma_wait3A_106 = arith.constant 0 : i32
    %dma_wait3A_107 = arith.constant 0 : i32
    %dma_wait3A_108 = tpu.memref_slice %arg12[%dma_wait3A_106, %dma_wait3A_107] : memref<128x128xf32, #tpu.memory_space<vmem>> -> memref<128x128xf32, #tpu.memory_space<vmem>>
    tpu.wait_dma2 semaphore(%arg17 : memref<!tpu.dma_semaphore, #tpu.memory_space<semaphore_mem>>) src(%dma_wait3A_108 : memref<128x128xf32, #tpu.memory_space<vmem>>) dst(%dma_wait3A_105 : memref<128x128xf32, #tpu.memory_space<vmem_shared>>)
    %add3A_109 = arith.constant 128 : i32
    %add3A_110 = arith.addi %mul3A_38, %add3A_109 : i32
    %dma_wait3A_111 = arith.constant 0 : i32
    %dma_wait3A_112 = arith.constant 0 : i32
    %dma_wait3A_113 = tpu.memref_slice %arg12[%dma_wait3A_111, %dma_wait3A_112] : memref<128x128xf32, #tpu.memory_space<vmem>> -> memref<128x128xf32, #tpu.memory_space<vmem>>
    %dma_wait3A_114 = arith.constant 0 : i32
    %dma_wait3A_115 = tpu.memref_slice %arg15[%add3A_110, %dma_wait3A_114] : memref<10112x128xf32, #tpu.memory_space<vmem_shared>> -> memref<128x128xf32, #tpu.memory_space<vmem_shared>>
    %dma_wait3A_116 = arith.constant 0 : i32
    %dma_wait3A_117 = tpu.memref_slice %arg15[%add3A_110, %dma_wait3A_116] : memref<10112x128xf32, #tpu.memory_space<vmem_shared>> -> memref<128x128xf32, #tpu.memory_space<vmem_shared>>
    %dma_wait3A_118 = arith.constant 0 : i32
    %dma_wait3A_119 = arith.constant 0 : i32
    %dma_wait3A_120 = tpu.memref_slice %arg12[%dma_wait3A_118, %dma_wait3A_119] : memref<128x128xf32, #tpu.memory_space<vmem>> -> memref<128x128xf32, #tpu.memory_space<vmem>>
    tpu.wait_dma2 semaphore(%arg17 : memref<!tpu.dma_semaphore, #tpu.memory_space<semaphore_mem>>) src(%dma_wait3A_120 : memref<128x128xf32, #tpu.memory_space<vmem>>) dst(%dma_wait3A_117 : memref<128x128xf32, #tpu.memory_space<vmem_shared>>)
    %add3A_121 = arith.constant 256 : i32
    %add3A_122 = arith.addi %mul3A_38, %add3A_121 : i32
    %dma_wait3A_123 = arith.constant 0 : i32
    %dma_wait3A_124 = arith.constant 0 : i32
    %dma_wait3A_125 = tpu.memref_slice %arg12[%dma_wait3A_123, %dma_wait3A_124] : memref<128x128xf32, #tpu.memory_space<vmem>> -> memref<128x128xf32, #tpu.memory_space<vmem>>
    %dma_wait3A_126 = arith.constant 0 : i32
    %dma_wait3A_127 = tpu.memref_slice %arg15[%add3A_122, %dma_wait3A_126] : memref<10112x128xf32, #tpu.memory_space<vmem_shared>> -> memref<128x128xf32, #tpu.memory_space<vmem_shared>>
    %dma_wait3A_128 = arith.constant 0 : i32
    %dma_wait3A_129 = tpu.memref_slice %arg15[%add3A_122, %dma_wait3A_128] : memref<10112x128xf32, #tpu.memory_space<vmem_shared>> -> memref<128x128xf32, #tpu.memory_space<vmem_shared>>
    %dma_wait3A_130 = arith.constant 0 : i32
    %dma_wait3A_131 = arith.constant 0 : i32
    %dma_wait3A_132 = tpu.memref_slice %arg12[%dma_wait3A_130, %dma_wait3A_131] : memref<128x128xf32, #tpu.memory_space<vmem>> -> memref<128x128xf32, #tpu.memory_space<vmem>>
    tpu.wait_dma2 semaphore(%arg17 : memref<!tpu.dma_semaphore, #tpu.memory_space<semaphore_mem>>) src(%dma_wait3A_132 : memref<128x128xf32, #tpu.memory_space<vmem>>) dst(%dma_wait3A_129 : memref<128x128xf32, #tpu.memory_space<vmem_shared>>)
    %add3A_133 = arith.constant 384 : i32
    %add3A_134 = arith.addi %mul3A_38, %add3A_133 : i32
    %dma_wait3A_135 = arith.constant 0 : i32
    %dma_wait3A_136 = arith.constant 0 : i32
    %dma_wait3A_137 = tpu.memref_slice %arg12[%dma_wait3A_135, %dma_wait3A_136] : memref<128x128xf32, #tpu.memory_space<vmem>> -> memref<128x128xf32, #tpu.memory_space<vmem>>
    %dma_wait3A_138 = arith.constant 0 : i32
    %dma_wait3A_139 = tpu.memref_slice %arg15[%add3A_134, %dma_wait3A_138] : memref<10112x128xf32, #tpu.memory_space<vmem_shared>> -> memref<128x128xf32, #tpu.memory_space<vmem_shared>>
    %dma_wait3A_140 = arith.constant 0 : i32
    %dma_wait3A_141 = tpu.memref_slice %arg15[%add3A_134, %dma_wait3A_140] : memref<10112x128xf32, #tpu.memory_space<vmem_shared>> -> memref<128x128xf32, #tpu.memory_space<vmem_shared>>
    %dma_wait3A_142 = arith.constant 0 : i32
    %dma_wait3A_143 = arith.constant 0 : i32
    %dma_wait3A_144 = tpu.memref_slice %arg12[%dma_wait3A_142, %dma_wait3A_143] : memref<128x128xf32, #tpu.memory_space<vmem>> -> memref<128x128xf32, #tpu.memory_space<vmem>>
    tpu.wait_dma2 semaphore(%arg17 : memref<!tpu.dma_semaphore, #tpu.memory_space<semaphore_mem>>) src(%dma_wait3A_144 : memref<128x128xf32, #tpu.memory_space<vmem>>) dst(%dma_wait3A_141 : memref<128x128xf32, #tpu.memory_space<vmem_shared>>)
    %add3A_145 = arith.constant 512 : i32
    %add3A_146 = arith.addi %mul3A_38, %add3A_145 : i32
    %dma_wait3A_147 = arith.constant 0 : i32
    %dma_wait3A_148 = arith.constant 0 : i32
    %dma_wait3A_149 = tpu.memref_slice %arg12[%dma_wait3A_147, %dma_wait3A_148] : memref<128x128xf32, #tpu.memory_space<vmem>> -> memref<120x128xf32, #tpu.memory_space<vmem>>
    %dma_wait3A_150 = arith.constant 0 : i32
    %dma_wait3A_151 = tpu.memref_slice %arg15[%add3A_146, %dma_wait3A_150] : memref<10112x128xf32, #tpu.memory_space<vmem_shared>> -> memref<120x128xf32, #tpu.memory_space<vmem_shared>>
    %dma_wait3A_152 = arith.constant 0 : i32
    %dma_wait3A_153 = tpu.memref_slice %arg15[%add3A_146, %dma_wait3A_152] : memref<10112x128xf32, #tpu.memory_space<vmem_shared>> -> memref<120x128xf32, #tpu.memory_space<vmem_shared>>
    %dma_wait3A_154 = arith.constant 0 : i32
    %dma_wait3A_155 = arith.constant 0 : i32
    %dma_wait3A_156 = tpu.memref_slice %arg12[%dma_wait3A_154, %dma_wait3A_155] : memref<128x128xf32, #tpu.memory_space<vmem>> -> memref<120x128xf32, #tpu.memory_space<vmem>>
    tpu.wait_dma2 semaphore(%arg17 : memref<!tpu.dma_semaphore, #tpu.memory_space<semaphore_mem>>) src(%dma_wait3A_156 : memref<120x128xf32, #tpu.memory_space<vmem>>) dst(%dma_wait3A_153 : memref<120x128xf32, #tpu.memory_space<vmem_shared>>)
    %eq3A = arith.constant 0 : i32
    %eq3A_157 = arith.cmpi eq, %arg1, %eq3A : i32
    %convert_element_type3A = arith.extui %eq3A_157 : i1 to i32
    %cond3A = arith.constant 0 : i32
    %cond3A_158 = arith.cmpi ne, %convert_element_type3A, %cond3A : i32
    scf.if %cond3A_158 {
      "tpu.region"() ({
        %run_scoped3A = tpu.sem_alloc : memref<!tpu.dma_semaphore, #tpu.memory_space<semaphore_mem>>
        %dma_start3A_185 = arith.constant 0 : i32
        %dma_start3A_186 = arith.constant 0 : i32
        %dma_start3A_187 = tpu.memref_slice %arg12[%dma_start3A_185, %dma_start3A_186] : memref<128x128xf32, #tpu.memory_space<vmem>> -> memref<80x128xf32, #tpu.memory_space<vmem>>
        %dma_start3A_188 = arith.constant 0 : i32
        %dma_start3A_189 = arith.constant 0 : i32
        %dma_start3A_190 = tpu.memref_slice %arg12[%dma_start3A_188, %dma_start3A_189] : memref<128x128xf32, #tpu.memory_space<vmem>> -> memref<80x128xf32, #tpu.memory_space<vmem>>
        tpu.enqueue_dma source(%dma_start3A_190 : memref<80x128xf32, #tpu.memory_space<vmem>>) target(%arg16 : memref<80x128xf32, #tpu.memory_space<vmem_shared>>) target_semaphore(%run_scoped3A : memref<!tpu.dma_semaphore, #tpu.memory_space<semaphore_mem>>)
        %dma_wait3A_191 = arith.constant 0 : i32
        %dma_wait3A_192 = arith.constant 0 : i32
        %dma_wait3A_193 = tpu.memref_slice %arg12[%dma_wait3A_191, %dma_wait3A_192] : memref<128x128xf32, #tpu.memory_space<vmem>> -> memref<80x128xf32, #tpu.memory_space<vmem>>
        %dma_wait3A_194 = arith.constant 0 : i32
        %dma_wait3A_195 = arith.constant 0 : i32
        %dma_wait3A_196 = tpu.memref_slice %arg12[%dma_wait3A_194, %dma_wait3A_195] : memref<128x128xf32, #tpu.memory_space<vmem>> -> memref<80x128xf32, #tpu.memory_space<vmem>>
        tpu.wait_dma2 semaphore(%run_scoped3A : memref<!tpu.dma_semaphore, #tpu.memory_space<semaphore_mem>>) src(%dma_wait3A_196 : memref<80x128xf32, #tpu.memory_space<vmem>>) dst(%arg16 : memref<80x128xf32, #tpu.memory_space<vmem_shared>>)
        tpu.yield
      }) : () -> ()
    } else {
    }
    %barrier3A = arith.constant 0 : index
    tpu.barrier barrier_id(%barrier3A)
    %broadcast_in_dim3A = arith.constant 1.000000e+00 : f32
    %broadcast_in_dim3A_159 = vector.broadcast %broadcast_in_dim3A : f32 to vector<16xf32>
    %eq3A_160 = arith.constant 0 : i32
    %eq3A_161 = arith.cmpi eq, %arg0, %eq3A_160 : i32
    %convert_element_type3A_162 = arith.extui %eq3A_161 : i1 to i32
    %cond3A_163 = arith.constant 0 : i32
    %cond3A_164 = arith.cmpi ne, %convert_element_type3A_162, %cond3A_163 : i32
    scf.if %cond3A_164 {
      %mul3A_185 = arith.constant 19968 : i32
      %mul3A_186 = arith.muli %arg1, %mul3A_185 : i32
      %add3A_187 = arith.constant 0 : i32
      %add3A_188 = arith.addi %mul3A_186, %add3A_187 : i32
      %dma_start3A_189 = tpu.memref_slice %arg3[%add3A_188] : memref<321536xi32, #tpu.memory_space<hbm>> -> memref<128xi32, #tpu.memory_space<hbm>>
      %dma_start3A_190 = tpu.memref_slice %arg3[%add3A_188] : memref<321536xi32, #tpu.memory_space<hbm>> -> memref<128xi32, #tpu.memory_space<hbm>>
      tpu.enqueue_dma source(%dma_start3A_190 : memref<128xi32, #tpu.memory_space<hbm>>) target(%arg7 : memref<128xi32, #tpu.memory_space<vmem>>) target_semaphore(%arg19 : memref<!tpu.dma_semaphore, #tpu.memory_space<semaphore_mem>>)
      %add3A_191 = arith.constant 0 : i32
      %add3A_192 = arith.addi %mul3A_186, %add3A_191 : i32
      %dma_start3A_193 = tpu.memref_slice %arg4[%add3A_192] : memref<321536xi32, #tpu.memory_space<hbm>> -> memref<128xi32, #tpu.memory_space<hbm>>
      %dma_start3A_194 = tpu.memref_slice %arg4[%add3A_192] : memref<321536xi32, #tpu.memory_space<hbm>> -> memref<128xi32, #tpu.memory_space<hbm>>
      tpu.enqueue_dma source(%dma_start3A_194 : memref<128xi32, #tpu.memory_space<hbm>>) target(%arg8 : memref<128xi32, #tpu.memory_space<vmem>>) target_semaphore(%arg21 : memref<!tpu.dma_semaphore, #tpu.memory_space<semaphore_mem>>)
      %add3A_195 = arith.constant 128 : i32
      %add3A_196 = arith.addi %mul3A_186, %add3A_195 : i32
      %dma_start3A_197 = tpu.memref_slice %arg3[%add3A_196] : memref<321536xi32, #tpu.memory_space<hbm>> -> memref<128xi32, #tpu.memory_space<hbm>>
      %dma_start3A_198 = tpu.memref_slice %arg3[%add3A_196] : memref<321536xi32, #tpu.memory_space<hbm>> -> memref<128xi32, #tpu.memory_space<hbm>>
      tpu.enqueue_dma source(%dma_start3A_198 : memref<128xi32, #tpu.memory_space<hbm>>) target(%arg9 : memref<128xi32, #tpu.memory_space<vmem>>) target_semaphore(%arg20 : memref<!tpu.dma_semaphore, #tpu.memory_space<semaphore_mem>>)
      %add3A_199 = arith.constant 128 : i32
      %add3A_200 = arith.addi %mul3A_186, %add3A_199 : i32
      %dma_start3A_201 = tpu.memref_slice %arg4[%add3A_200] : memref<321536xi32, #tpu.memory_space<hbm>> -> memref<128xi32, #tpu.memory_space<hbm>>
      %dma_start3A_202 = tpu.memref_slice %arg4[%add3A_200] : memref<321536xi32, #tpu.memory_space<hbm>> -> memref<128xi32, #tpu.memory_space<hbm>>
      tpu.enqueue_dma source(%dma_start3A_202 : memref<128xi32, #tpu.memory_space<hbm>>) target(%arg10 : memref<128xi32, #tpu.memory_space<vmem>>) target_semaphore(%arg22 : memref<!tpu.dma_semaphore, #tpu.memory_space<semaphore_mem>>)
      %add3A_203 = arith.constant 0 : i32
      %add3A_204 = arith.addi %mul3A_186, %add3A_203 : i32
      %dma_wait3A_205 = tpu.memref_slice %arg3[%add3A_204] : memref<321536xi32, #tpu.memory_space<hbm>> -> memref<128xi32, #tpu.memory_space<hbm>>
      %dma_wait3A_206 = tpu.memref_slice %arg3[%add3A_204] : memref<321536xi32, #tpu.memory_space<hbm>> -> memref<128xi32, #tpu.memory_space<hbm>>
      tpu.wait_dma2 semaphore(%arg19 : memref<!tpu.dma_semaphore, #tpu.memory_space<semaphore_mem>>) src(%dma_wait3A_206 : memref<128xi32, #tpu.memory_space<hbm>>) dst(%arg7 : memref<128xi32, #tpu.memory_space<vmem>>)
      %dma_start3A_207 = arith.constant 0 : i32
      %dma_start3A_208 = arith.constant 0 : i32
      %dma_start3A_209 = tpu.memref_slice %arg2[%dma_start3A_207, %dma_start3A_208] : memref<10000x128xf32, #tpu.memory_space<hbm>> -> memref<10000x128xf32, #tpu.memory_space<hbm>>
      tpu.enqueue_indirect_dma source(%dma_start3A_209 : memref<10000x128xf32, #tpu.memory_space<hbm>>) target(%arg12 : memref<128x128xf32, #tpu.memory_space<vmem>>) offsets(%arg7 : memref<128xi32, #tpu.memory_space<vmem>>) semaphore(%arg17 : memref<!tpu.dma_semaphore, #tpu.memory_space<semaphore_mem>>)
      %add3A_210 = arith.constant 128 : i32
      %add3A_211 = arith.addi %mul3A_186, %add3A_210 : i32
      %dma_wait3A_212 = tpu.memref_slice %arg3[%add3A_211] : memref<321536xi32, #tpu.memory_space<hbm>> -> memref<128xi32, #tpu.memory_space<hbm>>
      %dma_wait3A_213 = tpu.memref_slice %arg3[%add3A_211] : memref<321536xi32, #tpu.memory_space<hbm>> -> memref<128xi32, #tpu.memory_space<hbm>>
      tpu.wait_dma2 semaphore(%arg20 : memref<!tpu.dma_semaphore, #tpu.memory_space<semaphore_mem>>) src(%dma_wait3A_213 : memref<128xi32, #tpu.memory_space<hbm>>) dst(%arg9 : memref<128xi32, #tpu.memory_space<vmem>>)
      %dma_start3A_214 = arith.constant 0 : i32
      %dma_start3A_215 = arith.constant 0 : i32
      %dma_start3A_216 = tpu.memref_slice %arg2[%dma_start3A_214, %dma_start3A_215] : memref<10000x128xf32, #tpu.memory_space<hbm>> -> memref<10000x128xf32, #tpu.memory_space<hbm>>
      tpu.enqueue_indirect_dma source(%dma_start3A_216 : memref<10000x128xf32, #tpu.memory_space<hbm>>) target(%arg13 : memref<128x128xf32, #tpu.memory_space<vmem>>) offsets(%arg9 : memref<128xi32, #tpu.memory_space<vmem>>) semaphore(%arg18 : memref<!tpu.dma_semaphore, #tpu.memory_space<semaphore_mem>>)
      %scan3A_217 = arith.constant 0 : i32
      %scan3A_218 = arith.constant 0 : i32
      %scan3A_219 = arith.constant 78 : i32
      %scan3A_220 = arith.addi %scan3A_218, %scan3A_219 : i32
      %scan3A_221 = arith.constant 1 : i32
      scf.for %scan3A_223 = %scan3A_218 to %scan3A_220 step %scan3A_221  : i32 {
        %mul3A_224 = arith.constant 2 : i32
        %mul3A_225 = arith.muli %mul3A_224, %scan3A_223 : i32
        %mul3A_226 = arith.constant 128 : i32
        %mul3A_227 = arith.muli %mul3A_225, %mul3A_226 : i32
        %add3A_228 = arith.addi %mul3A_186, %mul3A_227 : i32
        %dma_wait3A_229 = tpu.memref_slice %arg4[%add3A_228] : memref<321536xi32, #tpu.memory_space<hbm>> -> memref<128xi32, #tpu.memory_space<hbm>>
        %dma_wait3A_230 = tpu.memref_slice %arg4[%add3A_228] : memref<321536xi32, #tpu.memory_space<hbm>> -> memref<128xi32, #tpu.memory_space<hbm>>
        tpu.wait_dma2 semaphore(%arg21 : memref<!tpu.dma_semaphore, #tpu.memory_space<semaphore_mem>>) src(%dma_wait3A_230 : memref<128xi32, #tpu.memory_space<hbm>>) dst(%arg8 : memref<128xi32, #tpu.memory_space<vmem>>)
        %get3A = arith.constant 0 : index
        %get3A_231 = tpu.vector_load %arg8[%get3A] {strides = array<i32>} : memref<128xi32, #tpu.memory_space<vmem>>, vector<16xi32>,
        %shift_right_logical3A = arith.constant 7 : i32
        %shift_right_logical3A_232 = vector.broadcast %shift_right_logical3A : i32 to vector<16xi32>
        %shift_right_logical3A_233 = arith.shrui %get3A_231, %shift_right_logical3A_232 : vector<16xi32>
        %and3A = arith.constant 127 : i32
        %and3A_234 = vector.broadcast %and3A : i32 to vector<16xi32>
        %and3A_235 = arith.andi %get3A_231, %and3A_234 : vector<16xi32>
        tpu.vector_store_idx %arg14[%shift_right_logical3A_233, %and3A_235], %broadcast_in_dim3A_159 {add = true} : memref<80x128xf32, #tpu.memory_space<vmem>>[vector<16xi32>, vector<16xi32>], vector<16xf32>,
        %get3A_236 = arith.constant 16 : index
        %get3A_237 = tpu.vector_load %arg8[%get3A_236] {strides = array<i32>} : memref<128xi32, #tpu.memory_space<vmem>>, vector<16xi32>,
        %shift_right_logical3A_238 = arith.constant 7 : i32
        %shift_right_logical3A_239 = vector.broadcast %shift_right_logical3A_238 : i32 to vector<16xi32>
        %shift_right_logical3A_240 = arith.shrui %get3A_237, %shift_right_logical3A_239 : vector<16xi32>
        %and3A_241 = arith.constant 127 : i32
        %and3A_242 = vector.broadcast %and3A_241 : i32 to vector<16xi32>
        %and3A_243 = arith.andi %get3A_237, %and3A_242 : vector<16xi32>
        tpu.vector_store_idx %arg14[%shift_right_logical3A_240, %and3A_243], %broadcast_in_dim3A_159 {add = true} : memref<80x128xf32, #tpu.memory_space<vmem>>[vector<16xi32>, vector<16xi32>], vector<16xf32>,
        %get3A_244 = arith.constant 32 : index
        %get3A_245 = tpu.vector_load %arg8[%get3A_244] {strides = array<i32>} : memref<128xi32, #tpu.memory_space<vmem>>, vector<16xi32>,
        %shift_right_logical3A_246 = arith.constant 7 : i32
        %shift_right_logical3A_247 = vector.broadcast %shift_right_logical3A_246 : i32 to vector<16xi32>
        %shift_right_logical3A_248 = arith.shrui %get3A_245, %shift_right_logical3A_247 : vector<16xi32>
        %and3A_249 = arith.constant 127 : i32
        %and3A_250 = vector.broadcast %and3A_249 : i32 to vector<16xi32>
        %and3A_251 = arith.andi %get3A_245, %and3A_250 : vector<16xi32>
        tpu.vector_store_idx %arg14[%shift_right_logical3A_248, %and3A_251], %broadcast_in_dim3A_159 {add = true} : memref<80x128xf32, #tpu.memory_space<vmem>>[vector<16xi32>, vector<16xi32>], vector<16xf32>,
        %get3A_252 = arith.constant 48 : index
        %get3A_253 = tpu.vector_load %arg8[%get3A_252] {strides = array<i32>} : memref<128xi32, #tpu.memory_space<vmem>>, vector<16xi32>,
        %shift_right_logical3A_254 = arith.constant 7 : i32
        %shift_right_logical3A_255 = vector.broadcast %shift_right_logical3A_254 : i32 to vector<16xi32>
        %shift_right_logical3A_256 = arith.shrui %get3A_253, %shift_right_logical3A_255 : vector<16xi32>
        %and3A_257 = arith.constant 127 : i32
        %and3A_258 = vector.broadcast %and3A_257 : i32 to vector<16xi32>
        %and3A_259 = arith.andi %get3A_253, %and3A_258 : vector<16xi32>
        tpu.vector_store_idx %arg14[%shift_right_logical3A_256, %and3A_259], %broadcast_in_dim3A_159 {add = true} : memref<80x128xf32, #tpu.memory_space<vmem>>[vector<16xi32>, vector<16xi32>], vector<16xf32>,
        %get3A_260 = arith.constant 64 : index
        %get3A_261 = tpu.vector_load %arg8[%get3A_260] {strides = array<i32>} : memref<128xi32, #tpu.memory_space<vmem>>, vector<16xi32>,
        %shift_right_logical3A_262 = arith.constant 7 : i32
        %shift_right_logical3A_263 = vector.broadcast %shift_right_logical3A_262 : i32 to vector<16xi32>
        %shift_right_logical3A_264 = arith.shrui %get3A_261, %shift_right_logical3A_263 : vector<16xi32>
        %and3A_265 = arith.constant 127 : i32
        %and3A_266 = vector.broadcast %and3A_265 : i32 to vector<16xi32>
        %and3A_267 = arith.andi %get3A_261, %and3A_266 : vector<16xi32>
        tpu.vector_store_idx %arg14[%shift_right_logical3A_264, %and3A_267], %broadcast_in_dim3A_159 {add = true} : memref<80x128xf32, #tpu.memory_space<vmem>>[vector<16xi32>, vector<16xi32>], vector<16xf32>,
        %get3A_268 = arith.constant 80 : index
        %get3A_269 = tpu.vector_load %arg8[%get3A_268] {strides = array<i32>} : memref<128xi32, #tpu.memory_space<vmem>>, vector<16xi32>,
        %shift_right_logical3A_270 = arith.constant 7 : i32
        %shift_right_logical3A_271 = vector.broadcast %shift_right_logical3A_270 : i32 to vector<16xi32>
        %shift_right_logical3A_272 = arith.shrui %get3A_269, %shift_right_logical3A_271 : vector<16xi32>
        %and3A_273 = arith.constant 127 : i32
        %and3A_274 = vector.broadcast %and3A_273 : i32 to vector<16xi32>
        %and3A_275 = arith.andi %get3A_269, %and3A_274 : vector<16xi32>
        tpu.vector_store_idx %arg14[%shift_right_logical3A_272, %and3A_275], %broadcast_in_dim3A_159 {add = true} : memref<80x128xf32, #tpu.memory_space<vmem>>[vector<16xi32>, vector<16xi32>], vector<16xf32>,
        %get3A_276 = arith.constant 96 : index
        %get3A_277 = tpu.vector_load %arg8[%get3A_276] {strides = array<i32>} : memref<128xi32, #tpu.memory_space<vmem>>, vector<16xi32>,
        %shift_right_logical3A_278 = arith.constant 7 : i32
        %shift_right_logical3A_279 = vector.broadcast %shift_right_logical3A_278 : i32 to vector<16xi32>
        %shift_right_logical3A_280 = arith.shrui %get3A_277, %shift_right_logical3A_279 : vector<16xi32>
        %and3A_281 = arith.constant 127 : i32
        %and3A_282 = vector.broadcast %and3A_281 : i32 to vector<16xi32>
        %and3A_283 = arith.andi %get3A_277, %and3A_282 : vector<16xi32>
        tpu.vector_store_idx %arg14[%shift_right_logical3A_280, %and3A_283], %broadcast_in_dim3A_159 {add = true} : memref<80x128xf32, #tpu.memory_space<vmem>>[vector<16xi32>, vector<16xi32>], vector<16xf32>,
        %get3A_284 = arith.constant 112 : index
        %get3A_285 = tpu.vector_load %arg8[%get3A_284] {strides = array<i32>} : memref<128xi32, #tpu.memory_space<vmem>>, vector<16xi32>,
        %shift_right_logical3A_286 = arith.constant 7 : i32
        %shift_right_logical3A_287 = vector.broadcast %shift_right_logical3A_286 : i32 to vector<16xi32>
        %shift_right_logical3A_288 = arith.shrui %get3A_285, %shift_right_logical3A_287 : vector<16xi32>
        %and3A_289 = arith.constant 127 : i32
        %and3A_290 = vector.broadcast %and3A_289 : i32 to vector<16xi32>
        %and3A_291 = arith.andi %get3A_285, %and3A_290 : vector<16xi32>
        tpu.vector_store_idx %arg14[%shift_right_logical3A_288, %and3A_291], %broadcast_in_dim3A_159 {add = true} : memref<80x128xf32, #tpu.memory_space<vmem>>[vector<16xi32>, vector<16xi32>], vector<16xf32>,
        %dma_wait3A_292 = arith.constant 0 : i32
        %dma_wait3A_293 = arith.constant 0 : i32
        %dma_wait3A_294 = tpu.memref_slice %arg2[%dma_wait3A_292, %dma_wait3A_293] : memref<10000x128xf32, #tpu.memory_space<hbm>> -> memref<10000x128xf32, #tpu.memory_space<hbm>>
        tpu.wait_indirect_dma semaphore(%arg17 : memref<!tpu.dma_semaphore, #tpu.memory_space<semaphore_mem>>) src(%dma_wait3A_294 : memref<10000x128xf32, #tpu.memory_space<hbm>>) dst(%arg12 : memref<128x128xf32, #tpu.memory_space<vmem>>)
        %add3A_295 = arith.constant 2 : i32
        %add3A_296 = arith.addi %mul3A_225, %add3A_295 : i32
        %lt3A_297 = arith.constant 156 : i32
        %lt3A_298 = arith.cmpi slt, %add3A_296, %lt3A_297 : i32
        %convert_element_type3A_299 = arith.extui %lt3A_298 : i1 to i32
        %cond3A_300 = arith.constant 0 : i32
        %cond3A_301 = arith.cmpi ne, %convert_element_type3A_299, %cond3A_300 : i32
        scf.if %cond3A_301 {
          %add3A_397 = arith.constant 2 : i32
          %add3A_398 = arith.addi %mul3A_225, %add3A_397 : i32
          %mul3A_399 = arith.constant 128 : i32
          %mul3A_400 = arith.muli %add3A_398, %mul3A_399 : i32
          %add3A_401 = arith.addi %mul3A_186, %mul3A_400 : i32
          %dma_start3A_402 = tpu.memref_slice %arg3[%add3A_401] : memref<321536xi32, #tpu.memory_space<hbm>> -> memref<128xi32, #tpu.memory_space<hbm>>
          %dma_start3A_403 = tpu.memref_slice %arg3[%add3A_401] : memref<321536xi32, #tpu.memory_space<hbm>> -> memref<128xi32, #tpu.memory_space<hbm>>
          tpu.enqueue_dma source(%dma_start3A_403 : memref<128xi32, #tpu.memory_space<hbm>>) target(%arg7 : memref<128xi32, #tpu.memory_space<vmem>>) target_semaphore(%arg19 : memref<!tpu.dma_semaphore, #tpu.memory_space<semaphore_mem>>)
        } else {
        }
        "tpu.region"() ({
          %run_scoped3A = tpu.sem_alloc : memref<!tpu.dma_semaphore, #tpu.memory_space<semaphore_mem>>
          %dma_start3A_397 = arith.constant 0 : i32
          %dma_start3A_398 = arith.constant 0 : i32
          %dma_start3A_399 = tpu.memref_slice %arg15[%dma_start3A_397, %dma_start3A_398] : memref<10112x128xf32, #tpu.memory_space<vmem_shared>> -> memref<10112x128xf32, #tpu.memory_space<vmem_shared>>
          tpu.enqueue_indirect_dma source(%arg12 : memref<128x128xf32, #tpu.memory_space<vmem>>) target(%dma_start3A_399 : memref<10112x128xf32, #tpu.memory_space<vmem_shared>>) offsets(%arg8 : memref<128xi32, #tpu.memory_space<vmem>>) semaphore(%run_scoped3A : memref<!tpu.dma_semaphore, #tpu.memory_space<semaphore_mem>>) {add = true}
          %dma_wait3A_400 = arith.constant 0 : i32
          %dma_wait3A_401 = arith.constant 0 : i32
          %dma_wait3A_402 = tpu.memref_slice %arg15[%dma_wait3A_400, %dma_wait3A_401] : memref<10112x128xf32, #tpu.memory_space<vmem_shared>> -> memref<10112x128xf32, #tpu.memory_space<vmem_shared>>
          tpu.wait_indirect_dma semaphore(%run_scoped3A : memref<!tpu.dma_semaphore, #tpu.memory_space<semaphore_mem>>) src(%arg12 : memref<128x128xf32, #tpu.memory_space<vmem>>) dst(%dma_wait3A_402 : memref<10112x128xf32, #tpu.memory_space<vmem_shared>>)
          tpu.yield
        }) : () -> ()
        %add3A_302 = arith.constant 2 : i32
        %add3A_303 = arith.addi %mul3A_225, %add3A_302 : i32
        %lt3A_304 = arith.constant 156 : i32
        %lt3A_305 = arith.cmpi slt, %add3A_303, %lt3A_304 : i32
        %convert_element_type3A_306 = arith.extui %lt3A_305 : i1 to i32
        %cond3A_307 = arith.constant 0 : i32
        %cond3A_308 = arith.cmpi ne, %convert_element_type3A_306, %cond3A_307 : i32
        scf.if %cond3A_308 {
          %add3A_397 = arith.constant 2 : i32
          %add3A_398 = arith.addi %mul3A_225, %add3A_397 : i32
          %mul3A_399 = arith.constant 128 : i32
          %mul3A_400 = arith.muli %add3A_398, %mul3A_399 : i32
          %add3A_401 = arith.addi %mul3A_186, %mul3A_400 : i32
          %dma_start3A_402 = tpu.memref_slice %arg4[%add3A_401] : memref<321536xi32, #tpu.memory_space<hbm>> -> memref<128xi32, #tpu.memory_space<hbm>>
          %dma_start3A_403 = tpu.memref_slice %arg4[%add3A_401] : memref<321536xi32, #tpu.memory_space<hbm>> -> memref<128xi32, #tpu.memory_space<hbm>>
          tpu.enqueue_dma source(%dma_start3A_403 : memref<128xi32, #tpu.memory_space<hbm>>) target(%arg8 : memref<128xi32, #tpu.memory_space<vmem>>) target_semaphore(%arg21 : memref<!tpu.dma_semaphore, #tpu.memory_space<semaphore_mem>>)
          %add3A_404 = arith.constant 2 : i32
          %add3A_405 = arith.addi %mul3A_225, %add3A_404 : i32
          %mul3A_406 = arith.constant 128 : i32
          %mul3A_407 = arith.muli %add3A_405, %mul3A_406 : i32
          %add3A_408 = arith.addi %mul3A_186, %mul3A_407 : i32
          %dma_wait3A_409 = tpu.memref_slice %arg3[%add3A_408] : memref<321536xi32, #tpu.memory_space<hbm>> -> memref<128xi32, #tpu.memory_space<hbm>>
          %dma_wait3A_410 = tpu.memref_slice %arg3[%add3A_408] : memref<321536xi32, #tpu.memory_space<hbm>> -> memref<128xi32, #tpu.memory_space<hbm>>
          tpu.wait_dma2 semaphore(%arg19 : memref<!tpu.dma_semaphore, #tpu.memory_space<semaphore_mem>>) src(%dma_wait3A_410 : memref<128xi32, #tpu.memory_space<hbm>>) dst(%arg7 : memref<128xi32, #tpu.memory_space<vmem>>)
          %dma_start3A_411 = arith.constant 0 : i32
          %dma_start3A_412 = arith.constant 0 : i32
          %dma_start3A_413 = tpu.memref_slice %arg2[%dma_start3A_411, %dma_start3A_412] : memref<10000x128xf32, #tpu.memory_space<hbm>> -> memref<10000x128xf32, #tpu.memory_space<hbm>>
          tpu.enqueue_indirect_dma source(%dma_start3A_413 : memref<10000x128xf32, #tpu.memory_space<hbm>>) target(%arg12 : memref<128x128xf32, #tpu.memory_space<vmem>>) offsets(%arg7 : memref<128xi32, #tpu.memory_space<vmem>>) semaphore(%arg17 : memref<!tpu.dma_semaphore, #tpu.memory_space<semaphore_mem>>)
        } else {
        }
        %add3A_309 = arith.constant 1 : i32
        %add3A_310 = arith.addi %mul3A_225, %add3A_309 : i32
        %mul3A_311 = arith.constant 128 : i32
        %mul3A_312 = arith.muli %add3A_310, %mul3A_311 : i32
        %add3A_313 = arith.addi %mul3A_186, %mul3A_312 : i32
        %dma_wait3A_314 = tpu.memref_slice %arg4[%add3A_313] : memref<321536xi32, #tpu.memory_space<hbm>> -> memref<128xi32, #tpu.memory_space<hbm>>
        %dma_wait3A_315 = tpu.memref_slice %arg4[%add3A_313] : memref<321536xi32, #tpu.memory_space<hbm>> -> memref<128xi32, #tpu.memory_space<hbm>>
        tpu.wait_dma2 semaphore(%arg22 : memref<!tpu.dma_semaphore, #tpu.memory_space<semaphore_mem>>) src(%dma_wait3A_315 : memref<128xi32, #tpu.memory_space<hbm>>) dst(%arg10 : memref<128xi32, #tpu.memory_space<vmem>>)
        %get3A_316 = arith.constant 0 : index
        %get3A_317 = tpu.vector_load %arg10[%get3A_316] {strides = array<i32>} : memref<128xi32, #tpu.memory_space<vmem>>, vector<16xi32>,
        %shift_right_logical3A_318 = arith.constant 7 : i32
        %shift_right_logical3A_319 = vector.broadcast %shift_right_logical3A_318 : i32 to vector<16xi32>
        %shift_right_logical3A_320 = arith.shrui %get3A_317, %shift_right_logical3A_319 : vector<16xi32>
        %and3A_321 = arith.constant 127 : i32
        %and3A_322 = vector.broadcast %and3A_321 : i32 to vector<16xi32>
        %and3A_323 = arith.andi %get3A_317, %and3A_322 : vector<16xi32>
        tpu.vector_store_idx %arg14[%shift_right_logical3A_320, %and3A_323], %broadcast_in_dim3A_159 {add = true} : memref<80x128xf32, #tpu.memory_space<vmem>>[vector<16xi32>, vector<16xi32>], vector<16xf32>,
        %get3A_324 = arith.constant 16 : index
        %get3A_325 = tpu.vector_load %arg10[%get3A_324] {strides = array<i32>} : memref<128xi32, #tpu.memory_space<vmem>>, vector<16xi32>,
        %shift_right_logical3A_326 = arith.constant 7 : i32
        %shift_right_logical3A_327 = vector.broadcast %shift_right_logical3A_326 : i32 to vector<16xi32>
        %shift_right_logical3A_328 = arith.shrui %get3A_325, %shift_right_logical3A_327 : vector<16xi32>
        %and3A_329 = arith.constant 127 : i32
        %and3A_330 = vector.broadcast %and3A_329 : i32 to vector<16xi32>
        %and3A_331 = arith.andi %get3A_325, %and3A_330 : vector<16xi32>
        tpu.vector_store_idx %arg14[%shift_right_logical3A_328, %and3A_331], %broadcast_in_dim3A_159 {add = true} : memref<80x128xf32, #tpu.memory_space<vmem>>[vector<16xi32>, vector<16xi32>], vector<16xf32>,
        %get3A_332 = arith.constant 32 : index
        %get3A_333 = tpu.vector_load %arg10[%get3A_332] {strides = array<i32>} : memref<128xi32, #tpu.memory_space<vmem>>, vector<16xi32>,
        %shift_right_logical3A_334 = arith.constant 7 : i32
        %shift_right_logical3A_335 = vector.broadcast %shift_right_logical3A_334 : i32 to vector<16xi32>
        %shift_right_logical3A_336 = arith.shrui %get3A_333, %shift_right_logical3A_335 : vector<16xi32>
        %and3A_337 = arith.constant 127 : i32
        %and3A_338 = vector.broadcast %and3A_337 : i32 to vector<16xi32>
        %and3A_339 = arith.andi %get3A_333, %and3A_338 : vector<16xi32>
        tpu.vector_store_idx %arg14[%shift_right_logical3A_336, %and3A_339], %broadcast_in_dim3A_159 {add = true} : memref<80x128xf32, #tpu.memory_space<vmem>>[vector<16xi32>, vector<16xi32>], vector<16xf32>,
        %get3A_340 = arith.constant 48 : index
        %get3A_341 = tpu.vector_load %arg10[%get3A_340] {strides = array<i32>} : memref<128xi32, #tpu.memory_space<vmem>>, vector<16xi32>,
        %shift_right_logical3A_342 = arith.constant 7 : i32
        %shift_right_logical3A_343 = vector.broadcast %shift_right_logical3A_342 : i32 to vector<16xi32>
        %shift_right_logical3A_344 = arith.shrui %get3A_341, %shift_right_logical3A_343 : vector<16xi32>
        %and3A_345 = arith.constant 127 : i32
        %and3A_346 = vector.broadcast %and3A_345 : i32 to vector<16xi32>
        %and3A_347 = arith.andi %get3A_341, %and3A_346 : vector<16xi32>
        tpu.vector_store_idx %arg14[%shift_right_logical3A_344, %and3A_347], %broadcast_in_dim3A_159 {add = true} : memref<80x128xf32, #tpu.memory_space<vmem>>[vector<16xi32>, vector<16xi32>], vector<16xf32>,
        %get3A_348 = arith.constant 64 : index
        %get3A_349 = tpu.vector_load %arg10[%get3A_348] {strides = array<i32>} : memref<128xi32, #tpu.memory_space<vmem>>, vector<16xi32>,
        %shift_right_logical3A_350 = arith.constant 7 : i32
        %shift_right_logical3A_351 = vector.broadcast %shift_right_logical3A_350 : i32 to vector<16xi32>
        %shift_right_logical3A_352 = arith.shrui %get3A_349, %shift_right_logical3A_351 : vector<16xi32>
        %and3A_353 = arith.constant 127 : i32
        %and3A_354 = vector.broadcast %and3A_353 : i32 to vector<16xi32>
        %and3A_355 = arith.andi %get3A_349, %and3A_354 : vector<16xi32>
        tpu.vector_store_idx %arg14[%shift_right_logical3A_352, %and3A_355], %broadcast_in_dim3A_159 {add = true} : memref<80x128xf32, #tpu.memory_space<vmem>>[vector<16xi32>, vector<16xi32>], vector<16xf32>,
        %get3A_356 = arith.constant 80 : index
        %get3A_357 = tpu.vector_load %arg10[%get3A_356] {strides = array<i32>} : memref<128xi32, #tpu.memory_space<vmem>>, vector<16xi32>,
        %shift_right_logical3A_358 = arith.constant 7 : i32
        %shift_right_logical3A_359 = vector.broadcast %shift_right_logical3A_358 : i32 to vector<16xi32>
        %shift_right_logical3A_360 = arith.shrui %get3A_357, %shift_right_logical3A_359 : vector<16xi32>
        %and3A_361 = arith.constant 127 : i32
        %and3A_362 = vector.broadcast %and3A_361 : i32 to vector<16xi32>
        %and3A_363 = arith.andi %get3A_357, %and3A_362 : vector<16xi32>
        tpu.vector_store_idx %arg14[%shift_right_logical3A_360, %and3A_363], %broadcast_in_dim3A_159 {add = true} : memref<80x128xf32, #tpu.memory_space<vmem>>[vector<16xi32>, vector<16xi32>], vector<16xf32>,
        %get3A_364 = arith.constant 96 : index
        %get3A_365 = tpu.vector_load %arg10[%get3A_364] {strides = array<i32>} : memref<128xi32, #tpu.memory_space<vmem>>, vector<16xi32>,
        %shift_right_logical3A_366 = arith.constant 7 : i32
        %shift_right_logical3A_367 = vector.broadcast %shift_right_logical3A_366 : i32 to vector<16xi32>
        %shift_right_logical3A_368 = arith.shrui %get3A_365, %shift_right_logical3A_367 : vector<16xi32>
        %and3A_369 = arith.constant 127 : i32
        %and3A_370 = vector.broadcast %and3A_369 : i32 to vector<16xi32>
        %and3A_371 = arith.andi %get3A_365, %and3A_370 : vector<16xi32>
        tpu.vector_store_idx %arg14[%shift_right_logical3A_368, %and3A_371], %broadcast_in_dim3A_159 {add = true} : memref<80x128xf32, #tpu.memory_space<vmem>>[vector<16xi32>, vector<16xi32>], vector<16xf32>,
        %get3A_372 = arith.constant 112 : index
        %get3A_373 = tpu.vector_load %arg10[%get3A_372] {strides = array<i32>} : memref<128xi32, #tpu.memory_space<vmem>>, vector<16xi32>,
        %shift_right_logical3A_374 = arith.constant 7 : i32
        %shift_right_logical3A_375 = vector.broadcast %shift_right_logical3A_374 : i32 to vector<16xi32>
        %shift_right_logical3A_376 = arith.shrui %get3A_373, %shift_right_logical3A_375 : vector<16xi32>
        %and3A_377 = arith.constant 127 : i32
        %and3A_378 = vector.broadcast %and3A_377 : i32 to vector<16xi32>
        %and3A_379 = arith.andi %get3A_373, %and3A_378 : vector<16xi32>
        tpu.vector_store_idx %arg14[%shift_right_logical3A_376, %and3A_379], %broadcast_in_dim3A_159 {add = true} : memref<80x128xf32, #tpu.memory_space<vmem>>[vector<16xi32>, vector<16xi32>], vector<16xf32>,
        %dma_wait3A_380 = arith.constant 0 : i32
        %dma_wait3A_381 = arith.constant 0 : i32
        %dma_wait3A_382 = tpu.memref_slice %arg2[%dma_wait3A_380, %dma_wait3A_381] : memref<10000x128xf32, #tpu.memory_space<hbm>> -> memref<10000x128xf32, #tpu.memory_space<hbm>>
        tpu.wait_indirect_dma semaphore(%arg18 : memref<!tpu.dma_semaphore, #tpu.memory_space<semaphore_mem>>) src(%dma_wait3A_382 : memref<10000x128xf32, #tpu.memory_space<hbm>>) dst(%arg13 : memref<128x128xf32, #tpu.memory_space<vmem>>)
        %add3A_383 = arith.constant 2 : i32
        %add3A_384 = arith.addi %add3A_310, %add3A_383 : i32
        %lt3A_385 = arith.constant 156 : i32
        %lt3A_386 = arith.cmpi slt, %add3A_384, %lt3A_385 : i32
        %convert_element_type3A_387 = arith.extui %lt3A_386 : i1 to i32
        %cond3A_388 = arith.constant 0 : i32
        %cond3A_389 = arith.cmpi ne, %convert_element_type3A_387, %cond3A_388 : i32
        scf.if %cond3A_389 {
          %add3A_397 = arith.constant 2 : i32
          %add3A_398 = arith.addi %add3A_310, %add3A_397 : i32
          %mul3A_399 = arith.constant 128 : i32
          %mul3A_400 = arith.muli %add3A_398, %mul3A_399 : i32
          %add3A_401 = arith.addi %mul3A_186, %mul3A_400 : i32
          %dma_start3A_402 = tpu.memref_slice %arg3[%add3A_401] : memref<321536xi32, #tpu.memory_space<hbm>> -> memref<128xi32, #tpu.memory_space<hbm>>
          %dma_start3A_403 = tpu.memref_slice %arg3[%add3A_401] : memref<321536xi32, #tpu.memory_space<hbm>> -> memref<128xi32, #tpu.memory_space<hbm>>
          tpu.enqueue_dma source(%dma_start3A_403 : memref<128xi32, #tpu.memory_space<hbm>>) target(%arg9 : memref<128xi32, #tpu.memory_space<vmem>>) target_semaphore(%arg20 : memref<!tpu.dma_semaphore, #tpu.memory_space<semaphore_mem>>)
        } else {
        }
        "tpu.region"() ({
          %run_scoped3A = tpu.sem_alloc : memref<!tpu.dma_semaphore, #tpu.memory_space<semaphore_mem>>
          %dma_start3A_397 = arith.constant 0 : i32
          %dma_start3A_398 = arith.constant 0 : i32
          %dma_start3A_399 = tpu.memref_slice %arg15[%dma_start3A_397, %dma_start3A_398] : memref<10112x128xf32, #tpu.memory_space<vmem_shared>> -> memref<10112x128xf32, #tpu.memory_space<vmem_shared>>
          tpu.enqueue_indirect_dma source(%arg13 : memref<128x128xf32, #tpu.memory_space<vmem>>) target(%dma_start3A_399 : memref<10112x128xf32, #tpu.memory_space<vmem_shared>>) offsets(%arg10 : memref<128xi32, #tpu.memory_space<vmem>>) semaphore(%run_scoped3A : memref<!tpu.dma_semaphore, #tpu.memory_space<semaphore_mem>>) {add = true}
          %dma_wait3A_400 = arith.constant 0 : i32
          %dma_wait3A_401 = arith.constant 0 : i32
          %dma_wait3A_402 = tpu.memref_slice %arg15[%dma_wait3A_400, %dma_wait3A_401] : memref<10112x128xf32, #tpu.memory_space<vmem_shared>> -> memref<10112x128xf32, #tpu.memory_space<vmem_shared>>
          tpu.wait_indirect_dma semaphore(%run_scoped3A : memref<!tpu.dma_semaphore, #tpu.memory_space<semaphore_mem>>) src(%arg13 : memref<128x128xf32, #tpu.memory_space<vmem>>) dst(%dma_wait3A_402 : memref<10112x128xf32, #tpu.memory_space<vmem_shared>>)
          tpu.yield
        }) : () -> ()
        %add3A_390 = arith.constant 2 : i32
        %add3A_391 = arith.addi %add3A_310, %add3A_390 : i32
        %lt3A_392 = arith.constant 156 : i32
        %lt3A_393 = arith.cmpi slt, %add3A_391, %lt3A_392 : i32
        %convert_element_type3A_394 = arith.extui %lt3A_393 : i1 to i32
        %cond3A_395 = arith.constant 0 : i32
        %cond3A_396 = arith.cmpi ne, %convert_element_type3A_394, %cond3A_395 : i32
        scf.if %cond3A_396 {
          %add3A_397 = arith.constant 2 : i32
          %add3A_398 = arith.addi %add3A_310, %add3A_397 : i32
          %mul3A_399 = arith.constant 128 : i32
          %mul3A_400 = arith.muli %add3A_398, %mul3A_399 : i32
          %add3A_401 = arith.addi %mul3A_186, %mul3A_400 : i32
          %dma_start3A_402 = tpu.memref_slice %arg4[%add3A_401] : memref<321536xi32, #tpu.memory_space<hbm>> -> memref<128xi32, #tpu.memory_space<hbm>>
          %dma_start3A_403 = tpu.memref_slice %arg4[%add3A_401] : memref<321536xi32, #tpu.memory_space<hbm>> -> memref<128xi32, #tpu.memory_space<hbm>>
          tpu.enqueue_dma source(%dma_start3A_403 : memref<128xi32, #tpu.memory_space<hbm>>) target(%arg10 : memref<128xi32, #tpu.memory_space<vmem>>) target_semaphore(%arg22 : memref<!tpu.dma_semaphore, #tpu.memory_space<semaphore_mem>>)
          %add3A_404 = arith.constant 2 : i32
          %add3A_405 = arith.addi %add3A_310, %add3A_404 : i32
          %mul3A_406 = arith.constant 128 : i32
          %mul3A_407 = arith.muli %add3A_405, %mul3A_406 : i32
          %add3A_408 = arith.addi %mul3A_186, %mul3A_407 : i32
          %dma_wait3A_409 = tpu.memref_slice %arg3[%add3A_408] : memref<321536xi32, #tpu.memory_space<hbm>> -> memref<128xi32, #tpu.memory_space<hbm>>
          %dma_wait3A_410 = tpu.memref_slice %arg3[%add3A_408] : memref<321536xi32, #tpu.memory_space<hbm>> -> memref<128xi32, #tpu.memory_space<hbm>>
          tpu.wait_dma2 semaphore(%arg20 : memref<!tpu.dma_semaphore, #tpu.memory_space<semaphore_mem>>) src(%dma_wait3A_410 : memref<128xi32, #tpu.memory_space<hbm>>) dst(%arg9 : memref<128xi32, #tpu.memory_space<vmem>>)
          %dma_start3A_411 = arith.constant 0 : i32
          %dma_start3A_412 = arith.constant 0 : i32
          %dma_start3A_413 = tpu.memref_slice %arg2[%dma_start3A_411, %dma_start3A_412] : memref<10000x128xf32, #tpu.memory_space<hbm>> -> memref<10000x128xf32, #tpu.memory_space<hbm>>
          tpu.enqueue_indirect_dma source(%dma_start3A_413 : memref<10000x128xf32, #tpu.memory_space<hbm>>) target(%arg13 : memref<128x128xf32, #tpu.memory_space<vmem>>) offsets(%arg9 : memref<128xi32, #tpu.memory_space<vmem>>) semaphore(%arg18 : memref<!tpu.dma_semaphore, #tpu.memory_space<semaphore_mem>>)
        } else {
        }
      }
      %scan3A_222 = arith.constant 78 : i32
      "tpu.region"() ({
        %run_scoped3A = tpu.sem_alloc : memref<!tpu.dma_semaphore, #tpu.memory_space<semaphore_mem>>
        %dma_start3A_223 = arith.constant 0 : i32
        %dma_start3A_224 = arith.constant 0 : i32
        %dma_start3A_225 = tpu.memref_slice %arg16[%dma_start3A_223, %dma_start3A_224] : memref<80x128xf32, #tpu.memory_space<vmem_shared>> -> memref<80x128xf32, #tpu.memory_space<vmem_shared>>
        tpu.enqueue_indirect_dma source(%arg14 : memref<80x128xf32, #tpu.memory_space<vmem>>) target(%dma_start3A_225 : memref<80x128xf32, #tpu.memory_space<vmem_shared>>) offsets(%arg11 : memref<80xi32, #tpu.memory_space<vmem>>) semaphore(%run_scoped3A : memref<!tpu.dma_semaphore, #tpu.memory_space<semaphore_mem>>) {add = true}
        %dma_wait3A_226 = arith.constant 0 : i32
        %dma_wait3A_227 = arith.constant 0 : i32
        %dma_wait3A_228 = tpu.memref_slice %arg16[%dma_wait3A_226, %dma_wait3A_227] : memref<80x128xf32, #tpu.memory_space<vmem_shared>> -> memref<80x128xf32, #tpu.memory_space<vmem_shared>>
        tpu.wait_indirect_dma semaphore(%run_scoped3A : memref<!tpu.dma_semaphore, #tpu.memory_space<semaphore_mem>>) src(%arg14 : memref<80x128xf32, #tpu.memory_space<vmem>>) dst(%dma_wait3A_228 : memref<80x128xf32, #tpu.memory_space<vmem_shared>>)
        tpu.yield
      }) : () -> ()
    } else {
    }
    %eq3A_165 = arith.constant 1 : i32
    %eq3A_166 = arith.cmpi eq, %arg0, %eq3A_165 : i32
    %convert_element_type3A_167 = arith.extui %eq3A_166 : i1 to i32
    %cond3A_168 = arith.constant 0 : i32
    %cond3A_169 = arith.cmpi ne, %convert_element_type3A_167, %cond3A_168 : i32
    scf.if %cond3A_169 {
      %mul3A_185 = arith.constant 128 : i32
      %mul3A_186 = arith.muli %arg1, %mul3A_185 : i32
      %add3A_187 = arith.constant 319488 : i32
      %add3A_188 = arith.addi %add3A_187, %mul3A_186 : i32
      %add3A_189 = arith.constant 0 : i32
      %add3A_190 = arith.addi %add3A_188, %add3A_189 : i32
      %dma_start3A_191 = tpu.memref_slice %arg3[%add3A_190] : memref<321536xi32, #tpu.memory_space<hbm>> -> memref<128xi32, #tpu.memory_space<hbm>>
      %dma_start3A_192 = tpu.memref_slice %arg3[%add3A_190] : memref<321536xi32, #tpu.memory_space<hbm>> -> memref<128xi32, #tpu.memory_space<hbm>>
      tpu.enqueue_dma source(%dma_start3A_192 : memref<128xi32, #tpu.memory_space<hbm>>) target(%arg7 : memref<128xi32, #tpu.memory_space<vmem>>) target_semaphore(%arg19 : memref<!tpu.dma_semaphore, #tpu.memory_space<semaphore_mem>>)
      %add3A_193 = arith.constant 0 : i32
      %add3A_194 = arith.addi %add3A_188, %add3A_193 : i32
      %dma_start3A_195 = tpu.memref_slice %arg4[%add3A_194] : memref<321536xi32, #tpu.memory_space<hbm>> -> memref<128xi32, #tpu.memory_space<hbm>>
      %dma_start3A_196 = tpu.memref_slice %arg4[%add3A_194] : memref<321536xi32, #tpu.memory_space<hbm>> -> memref<128xi32, #tpu.memory_space<hbm>>
      tpu.enqueue_dma source(%dma_start3A_196 : memref<128xi32, #tpu.memory_space<hbm>>) target(%arg8 : memref<128xi32, #tpu.memory_space<vmem>>) target_semaphore(%arg21 : memref<!tpu.dma_semaphore, #tpu.memory_space<semaphore_mem>>)
      %add3A_197 = arith.constant 0 : i32
      %add3A_198 = arith.addi %add3A_188, %add3A_197 : i32
      %dma_wait3A_199 = tpu.memref_slice %arg3[%add3A_198] : memref<321536xi32, #tpu.memory_space<hbm>> -> memref<128xi32, #tpu.memory_space<hbm>>
      %dma_wait3A_200 = tpu.memref_slice %arg3[%add3A_198] : memref<321536xi32, #tpu.memory_space<hbm>> -> memref<128xi32, #tpu.memory_space<hbm>>
      tpu.wait_dma2 semaphore(%arg19 : memref<!tpu.dma_semaphore, #tpu.memory_space<semaphore_mem>>) src(%dma_wait3A_200 : memref<128xi32, #tpu.memory_space<hbm>>) dst(%arg7 : memref<128xi32, #tpu.memory_space<vmem>>)
      %dma_start3A_201 = arith.constant 0 : i32
      %dma_start3A_202 = arith.constant 0 : i32
      %dma_start3A_203 = tpu.memref_slice %arg2[%dma_start3A_201, %dma_start3A_202] : memref<10000x128xf32, #tpu.memory_space<hbm>> -> memref<10000x128xf32, #tpu.memory_space<hbm>>
      tpu.enqueue_indirect_dma source(%dma_start3A_203 : memref<10000x128xf32, #tpu.memory_space<hbm>>) target(%arg12 : memref<128x128xf32, #tpu.memory_space<vmem>>) offsets(%arg7 : memref<128xi32, #tpu.memory_space<vmem>>) semaphore(%arg17 : memref<!tpu.dma_semaphore, #tpu.memory_space<semaphore_mem>>)
      %scan3A_204 = arith.constant 0 : i32
      %scan3A_205 = arith.constant 0 : i32
      %scan3A_206 = arith.constant 0 : i32
      %scan3A_207 = arith.addi %scan3A_205, %scan3A_206 : i32
      %scan3A_208 = arith.constant 0 : i32
      %add3A_209 = arith.constant 0 : i32
      %add3A_210 = arith.addi %add3A_188, %add3A_209 : i32
      %dma_wait3A_211 = tpu.memref_slice %arg4[%add3A_210] : memref<321536xi32, #tpu.memory_space<hbm>> -> memref<128xi32, #tpu.memory_space<hbm>>
      %dma_wait3A_212 = tpu.memref_slice %arg4[%add3A_210] : memref<321536xi32, #tpu.memory_space<hbm>> -> memref<128xi32, #tpu.memory_space<hbm>>
      tpu.wait_dma2 semaphore(%arg21 : memref<!tpu.dma_semaphore, #tpu.memory_space<semaphore_mem>>) src(%dma_wait3A_212 : memref<128xi32, #tpu.memory_space<hbm>>) dst(%arg8 : memref<128xi32, #tpu.memory_space<vmem>>)
      %get3A = arith.constant 0 : index
      %get3A_213 = tpu.vector_load %arg8[%get3A] {strides = array<i32>} : memref<128xi32, #tpu.memory_space<vmem>>, vector<16xi32>,
      %shift_right_logical3A = arith.constant 7 : i32
      %shift_right_logical3A_214 = vector.broadcast %shift_right_logical3A : i32 to vector<16xi32>
      %shift_right_logical3A_215 = arith.shrui %get3A_213, %shift_right_logical3A_214 : vector<16xi32>
      %and3A = arith.constant 127 : i32
      %and3A_216 = vector.broadcast %and3A : i32 to vector<16xi32>
      %and3A_217 = arith.andi %get3A_213, %and3A_216 : vector<16xi32>
      tpu.vector_store_idx %arg14[%shift_right_logical3A_215, %and3A_217], %broadcast_in_dim3A_159 {add = true} : memref<80x128xf32, #tpu.memory_space<vmem>>[vector<16xi32>, vector<16xi32>], vector<16xf32>,
      %get3A_218 = arith.constant 16 : index
      %get3A_219 = tpu.vector_load %arg8[%get3A_218] {strides = array<i32>} : memref<128xi32, #tpu.memory_space<vmem>>, vector<16xi32>,
      %shift_right_logical3A_220 = arith.constant 7 : i32
      %shift_right_logical3A_221 = vector.broadcast %shift_right_logical3A_220 : i32 to vector<16xi32>
      %shift_right_logical3A_222 = arith.shrui %get3A_219, %shift_right_logical3A_221 : vector<16xi32>
      %and3A_223 = arith.constant 127 : i32
      %and3A_224 = vector.broadcast %and3A_223 : i32 to vector<16xi32>
      %and3A_225 = arith.andi %get3A_219, %and3A_224 : vector<16xi32>
      tpu.vector_store_idx %arg14[%shift_right_logical3A_222, %and3A_225], %broadcast_in_dim3A_159 {add = true} : memref<80x128xf32, #tpu.memory_space<vmem>>[vector<16xi32>, vector<16xi32>], vector<16xf32>,
      %get3A_226 = arith.constant 32 : index
      %get3A_227 = tpu.vector_load %arg8[%get3A_226] {strides = array<i32>} : memref<128xi32, #tpu.memory_space<vmem>>, vector<16xi32>,
      %shift_right_logical3A_228 = arith.constant 7 : i32
      %shift_right_logical3A_229 = vector.broadcast %shift_right_logical3A_228 : i32 to vector<16xi32>
      %shift_right_logical3A_230 = arith.shrui %get3A_227, %shift_right_logical3A_229 : vector<16xi32>
      %and3A_231 = arith.constant 127 : i32
      %and3A_232 = vector.broadcast %and3A_231 : i32 to vector<16xi32>
      %and3A_233 = arith.andi %get3A_227, %and3A_232 : vector<16xi32>
      tpu.vector_store_idx %arg14[%shift_right_logical3A_230, %and3A_233], %broadcast_in_dim3A_159 {add = true} : memref<80x128xf32, #tpu.memory_space<vmem>>[vector<16xi32>, vector<16xi32>], vector<16xf32>,
      %get3A_234 = arith.constant 48 : index
      %get3A_235 = tpu.vector_load %arg8[%get3A_234] {strides = array<i32>} : memref<128xi32, #tpu.memory_space<vmem>>, vector<16xi32>,
      %shift_right_logical3A_236 = arith.constant 7 : i32
      %shift_right_logical3A_237 = vector.broadcast %shift_right_logical3A_236 : i32 to vector<16xi32>
      %shift_right_logical3A_238 = arith.shrui %get3A_235, %shift_right_logical3A_237 : vector<16xi32>
      %and3A_239 = arith.constant 127 : i32
      %and3A_240 = vector.broadcast %and3A_239 : i32 to vector<16xi32>
      %and3A_241 = arith.andi %get3A_235, %and3A_240 : vector<16xi32>
      tpu.vector_store_idx %arg14[%shift_right_logical3A_238, %and3A_241], %broadcast_in_dim3A_159 {add = true} : memref<80x128xf32, #tpu.memory_space<vmem>>[vector<16xi32>, vector<16xi32>], vector<16xf32>,
      %get3A_242 = arith.constant 64 : index
      %get3A_243 = tpu.vector_load %arg8[%get3A_242] {strides = array<i32>} : memref<128xi32, #tpu.memory_space<vmem>>, vector<16xi32>,
      %shift_right_logical3A_244 = arith.constant 7 : i32
      %shift_right_logical3A_245 = vector.broadcast %shift_right_logical3A_244 : i32 to vector<16xi32>
      %shift_right_logical3A_246 = arith.shrui %get3A_243, %shift_right_logical3A_245 : vector<16xi32>
      %and3A_247 = arith.constant 127 : i32
      %and3A_248 = vector.broadcast %and3A_247 : i32 to vector<16xi32>
      %and3A_249 = arith.andi %get3A_243, %and3A_248 : vector<16xi32>
      tpu.vector_store_idx %arg14[%shift_right_logical3A_246, %and3A_249], %broadcast_in_dim3A_159 {add = true} : memref<80x128xf32, #tpu.memory_space<vmem>>[vector<16xi32>, vector<16xi32>], vector<16xf32>,
      %get3A_250 = arith.constant 80 : index
      %get3A_251 = tpu.vector_load %arg8[%get3A_250] {strides = array<i32>} : memref<128xi32, #tpu.memory_space<vmem>>, vector<16xi32>,
      %shift_right_logical3A_252 = arith.constant 7 : i32
      %shift_right_logical3A_253 = vector.broadcast %shift_right_logical3A_252 : i32 to vector<16xi32>
      %shift_right_logical3A_254 = arith.shrui %get3A_251, %shift_right_logical3A_253 : vector<16xi32>
      %and3A_255 = arith.constant 127 : i32
      %and3A_256 = vector.broadcast %and3A_255 : i32 to vector<16xi32>
      %and3A_257 = arith.andi %get3A_251, %and3A_256 : vector<16xi32>
      tpu.vector_store_idx %arg14[%shift_right_logical3A_254, %and3A_257], %broadcast_in_dim3A_159 {add = true} : memref<80x128xf32, #tpu.memory_space<vmem>>[vector<16xi32>, vector<16xi32>], vector<16xf32>,
      %get3A_258 = arith.constant 96 : index
      %get3A_259 = tpu.vector_load %arg8[%get3A_258] {strides = array<i32>} : memref<128xi32, #tpu.memory_space<vmem>>, vector<16xi32>,
      %shift_right_logical3A_260 = arith.constant 7 : i32
      %shift_right_logical3A_261 = vector.broadcast %shift_right_logical3A_260 : i32 to vector<16xi32>
      %shift_right_logical3A_262 = arith.shrui %get3A_259, %shift_right_logical3A_261 : vector<16xi32>
      %and3A_263 = arith.constant 127 : i32
      %and3A_264 = vector.broadcast %and3A_263 : i32 to vector<16xi32>
      %and3A_265 = arith.andi %get3A_259, %and3A_264 : vector<16xi32>
      tpu.vector_store_idx %arg14[%shift_right_logical3A_262, %and3A_265], %broadcast_in_dim3A_159 {add = true} : memref<80x128xf32, #tpu.memory_space<vmem>>[vector<16xi32>, vector<16xi32>], vector<16xf32>,
      %get3A_266 = arith.constant 112 : index
      %get3A_267 = tpu.vector_load %arg8[%get3A_266] {strides = array<i32>} : memref<128xi32, #tpu.memory_space<vmem>>, vector<16xi32>,
      %shift_right_logical3A_268 = arith.constant 7 : i32
      %shift_right_logical3A_269 = vector.broadcast %shift_right_logical3A_268 : i32 to vector<16xi32>
      %shift_right_logical3A_270 = arith.shrui %get3A_267, %shift_right_logical3A_269 : vector<16xi32>
      %and3A_271 = arith.constant 127 : i32
      %and3A_272 = vector.broadcast %and3A_271 : i32 to vector<16xi32>
      %and3A_273 = arith.andi %get3A_267, %and3A_272 : vector<16xi32>
      tpu.vector_store_idx %arg14[%shift_right_logical3A_270, %and3A_273], %broadcast_in_dim3A_159 {add = true} : memref<80x128xf32, #tpu.memory_space<vmem>>[vector<16xi32>, vector<16xi32>], vector<16xf32>,
      %dma_wait3A_274 = arith.constant 0 : i32
      %dma_wait3A_275 = arith.constant 0 : i32
      %dma_wait3A_276 = tpu.memref_slice %arg2[%dma_wait3A_274, %dma_wait3A_275] : memref<10000x128xf32, #tpu.memory_space<hbm>> -> memref<10000x128xf32, #tpu.memory_space<hbm>>
      tpu.wait_indirect_dma semaphore(%arg17 : memref<!tpu.dma_semaphore, #tpu.memory_space<semaphore_mem>>) src(%dma_wait3A_276 : memref<10000x128xf32, #tpu.memory_space<hbm>>) dst(%arg12 : memref<128x128xf32, #tpu.memory_space<vmem>>)
      "tpu.region"() ({
        %run_scoped3A = tpu.sem_alloc : memref<!tpu.dma_semaphore, #tpu.memory_space<semaphore_mem>>
        %dma_start3A_277 = arith.constant 0 : i32
        %dma_start3A_278 = arith.constant 0 : i32
        %dma_start3A_279 = tpu.memref_slice %arg15[%dma_start3A_277, %dma_start3A_278] : memref<10112x128xf32, #tpu.memory_space<vmem_shared>> -> memref<10112x128xf32, #tpu.memory_space<vmem_shared>>
        tpu.enqueue_indirect_dma source(%arg12 : memref<128x128xf32, #tpu.memory_space<vmem>>) target(%dma_start3A_279 : memref<10112x128xf32, #tpu.memory_space<vmem_shared>>) offsets(%arg8 : memref<128xi32, #tpu.memory_space<vmem>>) semaphore(%run_scoped3A : memref<!tpu.dma_semaphore, #tpu.memory_space<semaphore_mem>>) {add = true}
        %dma_wait3A_280 = arith.constant 0 : i32
        %dma_wait3A_281 = arith.constant 0 : i32
        %dma_wait3A_282 = tpu.memref_slice %arg15[%dma_wait3A_280, %dma_wait3A_281] : memref<10112x128xf32, #tpu.memory_space<vmem_shared>> -> memref<10112x128xf32, #tpu.memory_space<vmem_shared>>
        tpu.wait_indirect_dma semaphore(%run_scoped3A : memref<!tpu.dma_semaphore, #tpu.memory_space<semaphore_mem>>) src(%arg12 : memref<128x128xf32, #tpu.memory_space<vmem>>) dst(%dma_wait3A_282 : memref<10112x128xf32, #tpu.memory_space<vmem_shared>>)
        tpu.yield
      }) : () -> ()
      "tpu.region"() ({
        %run_scoped3A = tpu.sem_alloc : memref<!tpu.dma_semaphore, #tpu.memory_space<semaphore_mem>>
        %dma_start3A_277 = arith.constant 0 : i32
        %dma_start3A_278 = arith.constant 0 : i32
        %dma_start3A_279 = tpu.memref_slice %arg16[%dma_start3A_277, %dma_start3A_278] : memref<80x128xf32, #tpu.memory_space<vmem_shared>> -> memref<80x128xf32, #tpu.memory_space<vmem_shared>>
        tpu.enqueue_indirect_dma source(%arg14 : memref<80x128xf32, #tpu.memory_space<vmem>>) target(%dma_start3A_279 : memref<80x128xf32, #tpu.memory_space<vmem_shared>>) offsets(%arg11 : memref<80xi32, #tpu.memory_space<vmem>>) semaphore(%run_scoped3A : memref<!tpu.dma_semaphore, #tpu.memory_space<semaphore_mem>>) {add = true}
        %dma_wait3A_280 = arith.constant 0 : i32
        %dma_wait3A_281 = arith.constant 0 : i32
        %dma_wait3A_282 = tpu.memref_slice %arg16[%dma_wait3A_280, %dma_wait3A_281] : memref<80x128xf32, #tpu.memory_space<vmem_shared>> -> memref<80x128xf32, #tpu.memory_space<vmem_shared>>
        tpu.wait_indirect_dma semaphore(%run_scoped3A : memref<!tpu.dma_semaphore, #tpu.memory_space<semaphore_mem>>) src(%arg14 : memref<80x128xf32, #tpu.memory_space<vmem>>) dst(%dma_wait3A_282 : memref<80x128xf32, #tpu.memory_space<vmem_shared>>)
        tpu.yield
      }) : () -> ()
    } else {
    }
    %barrier3A_170 = arith.constant 0 : index
    tpu.barrier barrier_id(%barrier3A_170)
    %lt3A = arith.constant 15 : i32
    %lt3A_171 = arith.cmpi slt, %arg1, %lt3A : i32
    %convert_element_type3A_172 = arith.extui %lt3A_171 : i1 to i32
    %cond3A_173 = arith.constant 0 : i32
    %cond3A_174 = arith.cmpi ne, %convert_element_type3A_172, %cond3A_173 : i32
    scf.if %cond3A_174 {
      %mul3A_185 = arith.constant 624 : i32
      %mul3A_186 = arith.muli %arg1, %mul3A_185 : i32
      %mul3A_187 = arith.constant 10000 : i32
      %mul3A_188 = arith.muli %arg0, %mul3A_187 : i32
      %mul3A_189 = arith.constant 624 : i32
      %mul3A_190 = arith.muli %arg1, %mul3A_189 : i32
      %add3A_191 = arith.addi %mul3A_188, %mul3A_190 : i32
      "tpu.region"() ({
        %run_scoped3A = tpu.sem_alloc : memref<!tpu.dma_semaphore, #tpu.memory_space<semaphore_mem>>
        %dma_start3A_192 = arith.constant 0 : i32
        %dma_start3A_193 = tpu.memref_slice %arg5[%add3A_191, %dma_start3A_192] : memref<20000x128xf32, #tpu.memory_space<hbm>> -> memref<624x128xf32, #tpu.memory_space<hbm>>
        %dma_start3A_194 = arith.constant 0 : i32
        %dma_start3A_195 = tpu.memref_slice %arg15[%mul3A_186, %dma_start3A_194] : memref<10112x128xf32, #tpu.memory_space<vmem_shared>> -> memref<624x128xf32, #tpu.memory_space<vmem_shared>>
        tpu.enqueue_dma source(%dma_start3A_195 : memref<624x128xf32, #tpu.memory_space<vmem_shared>>) target(%dma_start3A_193 : memref<624x128xf32, #tpu.memory_space<hbm>>) target_semaphore(%run_scoped3A : memref<!tpu.dma_semaphore, #tpu.memory_space<semaphore_mem>>)
        %dma_wait3A_196 = arith.constant 0 : i32
        %dma_wait3A_197 = tpu.memref_slice %arg5[%add3A_191, %dma_wait3A_196] : memref<20000x128xf32, #tpu.memory_space<hbm>> -> memref<624x128xf32, #tpu.memory_space<hbm>>
        %dma_wait3A_198 = arith.constant 0 : i32
        %dma_wait3A_199 = tpu.memref_slice %arg15[%mul3A_186, %dma_wait3A_198] : memref<10112x128xf32, #tpu.memory_space<vmem_shared>> -> memref<624x128xf32, #tpu.memory_space<vmem_shared>>
        tpu.wait_dma2 semaphore(%run_scoped3A : memref<!tpu.dma_semaphore, #tpu.memory_space<semaphore_mem>>) src(%dma_wait3A_199 : memref<624x128xf32, #tpu.memory_space<vmem_shared>>) dst(%dma_wait3A_197 : memref<624x128xf32, #tpu.memory_space<hbm>>)
        tpu.yield
      }) : () -> ()
    } else {
    }
    %eq3A_175 = arith.constant 15 : i32
    %eq3A_176 = arith.cmpi eq, %arg1, %eq3A_175 : i32
    %convert_element_type3A_177 = arith.extui %eq3A_176 : i1 to i32
    %cond3A_178 = arith.constant 0 : i32
    %cond3A_179 = arith.cmpi ne, %convert_element_type3A_177, %cond3A_178 : i32
    scf.if %cond3A_179 {
      %mul3A_185 = arith.constant 10000 : i32
      %mul3A_186 = arith.muli %arg0, %mul3A_185 : i32
      %add3A_187 = arith.constant 9360 : i32
      %add3A_188 = arith.addi %mul3A_186, %add3A_187 : i32
      "tpu.region"() ({
        %run_scoped3A = tpu.sem_alloc : memref<!tpu.dma_semaphore, #tpu.memory_space<semaphore_mem>>
        %dma_start3A_189 = arith.constant 0 : i32
        %dma_start3A_190 = tpu.memref_slice %arg5[%add3A_188, %dma_start3A_189] : memref<20000x128xf32, #tpu.memory_space<hbm>> -> memref<640x128xf32, #tpu.memory_space<hbm>>
        %dma_start3A_191 = arith.constant 9360 : i32
        %dma_start3A_192 = arith.constant 0 : i32
        %dma_start3A_193 = tpu.memref_slice %arg15[%dma_start3A_191, %dma_start3A_192] : memref<10112x128xf32, #tpu.memory_space<vmem_shared>> -> memref<640x128xf32, #tpu.memory_space<vmem_shared>>
        tpu.enqueue_dma source(%dma_start3A_193 : memref<640x128xf32, #tpu.memory_space<vmem_shared>>) target(%dma_start3A_190 : memref<640x128xf32, #tpu.memory_space<hbm>>) target_semaphore(%run_scoped3A : memref<!tpu.dma_semaphore, #tpu.memory_space<semaphore_mem>>)
        %dma_wait3A_194 = arith.constant 0 : i32
        %dma_wait3A_195 = tpu.memref_slice %arg5[%add3A_188, %dma_wait3A_194] : memref<20000x128xf32, #tpu.memory_space<hbm>> -> memref<640x128xf32, #tpu.memory_space<hbm>>
        %dma_wait3A_196 = arith.constant 9360 : i32
        %dma_wait3A_197 = arith.constant 0 : i32
        %dma_wait3A_198 = tpu.memref_slice %arg15[%dma_wait3A_196, %dma_wait3A_197] : memref<10112x128xf32, #tpu.memory_space<vmem_shared>> -> memref<640x128xf32, #tpu.memory_space<vmem_shared>>
        tpu.wait_dma2 semaphore(%run_scoped3A : memref<!tpu.dma_semaphore, #tpu.memory_space<semaphore_mem>>) src(%dma_wait3A_198 : memref<640x128xf32, #tpu.memory_space<vmem_shared>>) dst(%dma_wait3A_195 : memref<640x128xf32, #tpu.memory_space<hbm>>)
        tpu.yield
      }) : () -> ()
    } else {
    }
    %eq3A_180 = arith.constant 1 : i32
    %eq3A_181 = arith.cmpi eq, %arg1, %eq3A_180 : i32
    %convert_element_type3A_182 = arith.extui %eq3A_181 : i1 to i32
    %cond3A_183 = arith.constant 0 : i32
    %cond3A_184 = arith.cmpi ne, %convert_element_type3A_182, %cond3A_183 : i32
    scf.if %cond3A_184 {
      %mul3A_185 = arith.constant 80 : i32
      %mul3A_186 = arith.muli %arg0, %mul3A_185 : i32
      "tpu.region"() ({
        %run_scoped3A = tpu.sem_alloc : memref<!tpu.dma_semaphore, #tpu.memory_space<semaphore_mem>>
        %dma_start3A_187 = arith.constant 0 : i32
        %dma_start3A_188 = tpu.memref_slice %arg6[%mul3A_186, %dma_start3A_187] : memref<160x128xf32, #tpu.memory_space<hbm>> -> memref<80x128xf32, #tpu.memory_space<hbm>>
        tpu.enqueue_dma source(%arg16 : memref<80x128xf32, #tpu.memory_space<vmem_shared>>) target(%dma_start3A_188 : memref<80x128xf32, #tpu.memory_space<hbm>>) target_semaphore(%run_scoped3A : memref<!tpu.dma_semaphore, #tpu.memory_space<semaphore_mem>>)
        %dma_wait3A_189 = arith.constant 0 : i32
        %dma_wait3A_190 = tpu.memref_slice %arg6[%mul3A_186, %dma_wait3A_189] : memref<160x128xf32, #tpu.memory_space<hbm>> -> memref<80x128xf32, #tpu.memory_space<hbm>>
        tpu.wait_dma2 semaphore(%run_scoped3A : memref<!tpu.dma_semaphore, #tpu.memory_space<semaphore_mem>>) src(%arg16 : memref<80x128xf32, #tpu.memory_space<vmem_shared>>) dst(%dma_wait3A_190 : memref<80x128xf32, #tpu.memory_space<hbm>>)
        tpu.yield
      }) : () -> ()
    } else {
    }
    return
  }
}

module attributes {stable_mosaic.version = 14 : i64} {
  func.func @body(%arg0: i32, %arg1: memref<1000x128xf32, #tpu.memory_space<vmem>>, %arg2: memref<1000x128xf32, #tpu.memory_space<vmem>>, %arg3: memref<1000x128xf32, #tpu.memory_space<vmem>>, %arg4: memref<1000x1xf32, #tpu.memory_space<vmem>>, %arg5: memref<1000x1xf32, #tpu.memory_space<vmem>>, %arg6: memref<256x128xf32, #tpu.memory_space<vmem>>, %arg7: memref<1x128xf32, #tpu.memory_space<vmem>>, %arg8: memref<1000x128xf32, #tpu.memory_space<vmem>>) attributes {dimension_semantics = [#tpu.dimension_semantics<arbitrary>], iteration_bounds = array<i64: 10>, scalar_prefetch = 0 : i64, scratch_operands = 0 : i64, tpu.core_type = #tpu.core_type<tc>, window_params = [{transform_indices = @transform_0, window_bounds = array<i64: 1000, 128>}, {transform_indices = @transform_1, window_bounds = array<i64: 1000, 128>}, {transform_indices = @transform_2, window_bounds = array<i64: 1000, 128>}, {transform_indices = @transform_3, window_bounds = array<i64: 1000, 1>}, {transform_indices = @transform_4, window_bounds = array<i64: 1000, 1>}, {pipeline_mode = #tpu.pipeline_mode<synchronous>, transform_indices = @transform_5, window_bounds = array<i64: 256, 128>}, {pipeline_mode = #tpu.pipeline_mode<synchronous>, transform_indices = @transform_6, window_bounds = array<i64: 1, 128>}, {transform_indices = @transform_7, window_bounds = array<i64: 1000, 128>}]} {
    %get3A = arith.constant 0 : index
    %get3A_0 = arith.constant 0 : index
    %get3A_1 = vector.load %arg4[%get3A, %get3A_0] : memref<1000x1xf32, #tpu.memory_space<vmem>>, vector<1000x1xf32>
    %get3A_2 = arith.constant 0 : index
    %get3A_3 = arith.constant 0 : index
    %get3A_4 = vector.load %arg5[%get3A_2, %get3A_3] : memref<1000x1xf32, #tpu.memory_space<vmem>>, vector<1000x1xf32>
    %add3A = arith.addf %get3A_1, %get3A_4 : vector<1000x1xf32>
    %get3A_5 = arith.constant 0 : index
    %get3A_6 = arith.constant 0 : index
    %get3A_7 = vector.load %arg2[%get3A_5, %get3A_6] : memref<1000x128xf32, #tpu.memory_space<vmem>>, vector<1000x128xf32>
    %get3A_8 = arith.constant 0 : index
    %get3A_9 = arith.constant 0 : index
    %get3A_10 = vector.load %arg3[%get3A_8, %get3A_9] : memref<1000x128xf32, #tpu.memory_space<vmem>>, vector<1000x128xf32>
    %add3A_11 = arith.addf %get3A_7, %get3A_10 : vector<1000x128xf32>
    %max3A = arith.constant 1.000000e+00 : f32
    %max3A_12 = vector.broadcast %max3A : f32 to vector<1000x1xf32>
    %max3A_13 = arith.maximumf %add3A, %max3A_12 : vector<1000x1xf32>
    %div3A = vector.broadcast %max3A_13 : vector<1000x1xf32> to vector<1000x128xf32>
    %div3A_14 = arith.divf %add3A_11, %div3A : vector<1000x128xf32>
    %get3A_15 = arith.constant 0 : index
    %get3A_16 = arith.constant 0 : index
    %get3A_17 = vector.load %arg1[%get3A_15, %get3A_16] : memref<1000x128xf32, #tpu.memory_space<vmem>>, vector<1000x128xf32>
    %get3A_18 = arith.constant 0 : index
    %get3A_19 = arith.constant 0 : index
    %get3A_20 = vector.load %arg6[%get3A_18, %get3A_19] : memref<256x128xf32, #tpu.memory_space<vmem>>, vector<128x128xf32>
    %dot_general3A = arith.constant dense<0.000000e+00> : vector<1000x128xf32>
    %dot_general3A_21 = tpu.matmul %get3A_17, %get3A_20, %dot_general3A {dimension_numbers = #tpu.dot_dimension_numbers<[1], [0], [0], [1], [0, 0, 1, 1], [], []>, transpose_lhs_hint = false} : vector<1000x128xf32>, vector<128x128xf32>, vector<1000x128xf32> -> vector<1000x128xf32>
    %get3A_22 = arith.constant 128 : index
    %get3A_23 = arith.constant 0 : index
    %get3A_24 = vector.load %arg6[%get3A_22, %get3A_23] : memref<256x128xf32, #tpu.memory_space<vmem>>, vector<128x128xf32>
    %dot_general3A_25 = arith.constant dense<0.000000e+00> : vector<1000x128xf32>
    %dot_general3A_26 = tpu.matmul %div3A_14, %get3A_24, %dot_general3A_25 {dimension_numbers = #tpu.dot_dimension_numbers<[1], [0], [0], [1], [0, 0, 1, 1], [], []>, transpose_lhs_hint = false} : vector<1000x128xf32>, vector<128x128xf32>, vector<1000x128xf32> -> vector<1000x128xf32>
    %add3A_27 = arith.addf %dot_general3A_21, %dot_general3A_26 : vector<1000x128xf32>
    %get3A_28 = arith.constant 0 : index
    %get3A_29 = arith.constant 0 : index
    %get3A_30 = vector.load %arg7[%get3A_28, %get3A_29] : memref<1x128xf32, #tpu.memory_space<vmem>>, vector<1x128xf32>
    %add3A_31 = vector.broadcast %get3A_30 : vector<1x128xf32> to vector<1000x128xf32>
    %add3A_32 = arith.addf %add3A_27, %add3A_31 : vector<1000x128xf32>
    %swap3A = arith.constant 0 : index
    %swap3A_33 = arith.constant 0 : index
    %swap3A_34 = vector.load %arg8[%swap3A, %swap3A_33] : memref<1000x128xf32, #tpu.memory_space<vmem>>, vector<1000x128xf32>
    tpu.vector_store %arg8[%swap3A, %swap3A_33], %add3A_32 {strides = array<i32>} : memref<1000x128xf32, #tpu.memory_space<vmem>>, vector<1000x128xf32>,
    return
  }
  func.func @transform_0(%arg0: i32) -> (i32, i32) {
    %c0_i32 = arith.constant 0 : i32
    %c0_i32_0 = arith.constant 0 : i32
    return %arg0, %c0_i32 : i32, i32
  }
  func.func @transform_1(%arg0: i32) -> (i32, i32) {
    %c0_i32 = arith.constant 0 : i32
    %c0_i32_0 = arith.constant 0 : i32
    return %arg0, %c0_i32 : i32, i32
  }
  func.func @transform_2(%arg0: i32) -> (i32, i32) {
    %c0_i32 = arith.constant 0 : i32
    %c0_i32_0 = arith.constant 0 : i32
    return %arg0, %c0_i32 : i32, i32
  }
  func.func @transform_3(%arg0: i32) -> (i32, i32) {
    %c0_i32 = arith.constant 0 : i32
    %c0_i32_0 = arith.constant 0 : i32
    return %arg0, %c0_i32 : i32, i32
  }
  func.func @transform_4(%arg0: i32) -> (i32, i32) {
    %c0_i32 = arith.constant 0 : i32
    %c0_i32_0 = arith.constant 0 : i32
    return %arg0, %c0_i32 : i32, i32
  }
  func.func @transform_5(%arg0: i32) -> (i32, i32) {
    %c0_i32 = arith.constant 0 : i32
    %c0_i32_0 = arith.constant 0 : i32
    %c0_i32_1 = arith.constant 0 : i32
    return %c0_i32, %c0_i32_0 : i32, i32
  }
  func.func @transform_6(%arg0: i32) -> (i32, i32) {
    %c0_i32 = arith.constant 0 : i32
    %c0_i32_0 = arith.constant 0 : i32
    %c0_i32_1 = arith.constant 0 : i32
    return %c0_i32, %c0_i32_0 : i32, i32
  }
  func.func @transform_7(%arg0: i32) -> (i32, i32) {
    %c0_i32 = arith.constant 0 : i32
    %c0_i32_0 = arith.constant 0 : i32
    return %arg0, %c0_i32 : i32, i32
  }
}

</mosaic_0001>

<sc_bundles>
// kernel: kernel.4.cloned.1.call-start
scs
__scs_entry_jumppad:
0x0: {  	(pc) =	sbr.rel $0x88, $3  }
0x1: {  	(tag) =	ssettag $0x0;
	lr =	simm.s32 $0x1  }
0x2: {  	[smem:$0x3F9D] =	sst lr;
	_ =	strace $0xD0000000  }
0x3: {  	_ = 	snop  }
0x4: {  	_ = 	snop  }
0x5: {  	_ = 	snop  }
0x6: {  	_ = 	snop  }
0x7: {  	_ = 	snop  }
__scs_overlays_trampoline_lowered:
0x8: {  	[smem:$0x3FAC] =	sst s0  }
0x9: {  	[smem:$0x3FAD] =	sst s1  }
0xa: {  	[smem:$0x3FAE] =	sst s2  }
0xb: {  	[smem:$0x3FAF] =	sst s3  }
0xc: {  	[smem:$0x3FB0] =	sst s4  }
0xd: {  	[smem:$0x3FB1] =	sst s5  }
0xe: {  	[smem:$0x3FB2] =	sst s6  }
0xf: {  	[smem:$0x3FB3] =	sst s7  }
0x10: {  	[smem:$0x3FB4] =	sst s8  }
0x11: {  	[smem:$0x3FB5] =	sst s9;
	s0 =	simm.s32 @!p0 $0x0  }
0x12: {  	s1 =	sld [smem:$0x3F9B];
	s0 =	simm.s32 @p0 $0x1  }
0x13: {  	[smem:$0x3FB6] =	sst s0;
	s0 =	simm.s32 @!p1 $0x0  }
0x14: {  	s2 =	sld [smem:$0x3F9A];
	s0 =	simm.s32 @p1 $0x1  }
0x15: {  	[smem:$0x3FB7] =	sst s0;
	s0 =	simm.s32 @!p2 $0x0  }
0x16: {  	s3 =	sld [smem:$0x3FDB];
	s0 =	simm.s32 @p2 $0x1  }
0x17: {  	s4 =	simm.s32 $0x1BF5;
	[smem:$0x3FB9] =	sst s0  }
0x18: {  	s0 =	sld [smem:$0x3F9C];
	_ =	swait.ge [sflag:s4], $0x0  }
0x19: {  	s7 =	sld [smem:$0x3F9D]  }
0x1a: {  	s8 =	sadd.s32 $0xFFFFE003, lr  }
0x1b: {  	s9 =	sadd.s32 $0xFFFFFEF7, lr;
	s5 =	simm.s32 $0xFFFFFFFF;
	p2 =	slt.u32 s8, $0xFFFFF086  }
0x1c: {  	p1 =	slt.u32 s9, $0xF7A;
	s5 =	simm.s32 @!p2 $0x0  }
0x1d: {  	s5 =	simm.s32 @p1 $0x1;
	p0 =	seq.s32 s7, s2  }
0x1e: {  	s7 =	smul.u32 @!p0 $0xF7A, s2;
	p2 =	seq.s32 @!p0 s5, $0x0  }
0x1f: {  	s9 =	smul.u32 $0xF7A, s1;
	s8 =	simm.s32 @!p0 $0x1BF5;
	p2 =	por !p2, p0  }
0x20: {  	[sflag:s8] =	ssyncset.s32 @!p0 $0xFFFFF086;
	s6 =	sadd.s32 @!p0 s3, s7;
	s7 =	simm.s32 @!p0 $0x108  }
0x21: {  	s3 =	sadd.s32 s3, s9;
	s6 =	sadd.s32 @!p0 $0x88, s6;
	s7 =	simm.s32 @p2 $0x1082  }
0x22: {  	[simem:s7], [sflag:s8] =	dma.local @!p0 [hbm:s6], $0xF7A  }
0x23: {  	s9 =	sor.u32 $0xD0000000, s2;
	s6 =	simm.s32 $0x108;
	_ =	swait.ge @!p0 [sflag:s8], $0x0  }
0x24: {  	s3 =	sadd.s32 $0x88, s3;
	s6 =	simm.s32 @!p1 $0x1082;
	[sflag:s4] =	ssyncset.s32 $0xFFFFF086  }
0x25: {  	[simem:s6], [sflag:s4] =	dma.local [hbm:s3], $0xF7A  }
0x26: {  	[smem:$0x3F9D] =	sst s1;
	(tag) =	ssettag s2;
	_ =	strace s9  }
0x27: {  	s1 =	sld [smem:$0x3FAD]  }
0x28: {  	s2 =	sld [smem:$0x3FAE]  }
0x29: {  	s4 =	sld [smem:$0x3FB0]  }
0x2a: {  	p0 =	seq.s32 s5, $0x0;
	s5 =	sld [smem:$0x3FB1]  }
0x2b: {  	s6 =	sld [smem:$0x3FB2]  }
0x2c: {  	s7 =	sld [smem:$0x3FB3]  }
0x2d: {  	s3 =	simm.s32 $0x108;
	s8 =	sld [smem:$0x3FB4]  }
0x2e: {  	s3 =	simm.s32 @!p0 $0x1082;
	s9 =	sld [smem:$0x3FB5]  }
0x2f: {  	lr =	sadd.s32 s0, s3;
	s0 =	sld [smem:$0x3FAC]  }
0x30: {  	s3 =	sld [smem:$0x3FAF]  }
0x31: {  	[smem:$0x3FB8] =	sst s10  }
0x32: {  	s10 =	sld [smem:$0x3FB6];
	_ =	sdelay $0x3  }
0x33: {  	p0 =	seq.s32 s10, $0x1;
	s10 =	sld [smem:$0x3FB8];
	_ =	sdelay $0x3  }
0x34: {  	[smem:$0x3FB8] =	sst s10  }
0x35: {  	s10 =	sld [smem:$0x3FB7];
	_ =	sdelay $0x3  }
0x36: {  	p1 =	seq.s32 s10, $0x1;
	s10 =	sld [smem:$0x3FB8];
	_ =	sdelay $0x3  }
0x37: {  	[smem:$0x3FB8] =	sst s10  }
0x38: {  	s10 =	sld [smem:$0x3FB9]  }
0x39: {  	_ = 	snop;
	(pc) =	sbr.ind lr, $3  }
0x3a: {  	_ = 	snop  }
0x3b: {  	_ = 	snop  }
0x3c: {  	p2 =	seq.s32 s10, $0x1;
	s10 =	sld [smem:$0x3FB8]  }
0x3d: {  	_ =	shalt  }
0x3e: {  	_ =	shalt  }
0x3f: {  	_ =	shalt  }
0x40: {  	_ =	shalt  }
0x41: {  	_ =	shalt  }
0x42: {  	_ =	shalt  }
0x43: {  	_ =	shalt  }
0x44: {  	_ =	shalt  }
0x45: {  	_ =	shalt  }
0x46: {  	_ =	shalt  }
0x47: {  	_ =	shalt  }
0x48: {  	_ =	shalt  }
0x49: {  	_ =	shalt  }
0x4a: {  	_ =	shalt  }
0x4b: {  	_ =	shalt  }
0x4c: {  	_ =	shalt  }
0x4d: {  	_ =	shalt  }
0x4e: {  	_ =	shalt  }
0x4f: {  	_ =	shalt  }
0x50: {  	_ =	shalt  }
0x51: {  	_ =	shalt  }
0x52: {  	_ =	shalt  }
0x53: {  	_ =	shalt  }
0x54: {  	_ =	shalt  }
0x55: {  	_ =	shalt  }
0x56: {  	_ =	shalt  }
0x57: {  	_ =	shalt  }
0x58: {  	_ =	shalt  }
0x59: {  	_ =	shalt  }
0x5a: {  	_ =	shalt  }
0x5b: {  	_ =	shalt  }
0x5c: {  	_ =	shalt  }
0x5d: {  	_ =	shalt  }
0x5e: {  	_ =	shalt  }
0x5f: {  	_ =	shalt  }
0x60: {  	_ =	shalt  }
0x61: {  	_ =	shalt  }
0x62: {  	_ =	shalt  }
0x63: {  	_ =	shalt  }
0x64: {  	_ =	shalt  }
0x65: {  	_ =	shalt  }
0x66: {  	_ =	shalt  }
0x67: {  	_ =	shalt  }
0x68: {  	_ =	shalt  }
0x69: {  	_ =	shalt  }
0x6a: {  	_ =	shalt  }
0x6b: {  	_ =	shalt  }
0x6c: {  	_ =	shalt  }
0x6d: {  	_ =	shalt  }
0x6e: {  	_ =	shalt  }
0x6f: {  	_ =	shalt  }
0x70: {  	_ =	shalt  }
0x71: {  	_ =	shalt  }
0x72: {  	_ =	shalt  }
0x73: {  	_ =	shalt  }
0x74: {  	_ =	shalt  }
0x75: {  	_ =	shalt  }
0x76: {  	_ =	shalt  }
0x77: {  	_ =	shalt  }
0x78: {  	_ =	shalt  }
0x79: {  	_ =	shalt  }
0x7a: {  	_ =	shalt  }
0x7b: {  	_ =	shalt  }
0x7c: {  	_ =	shalt  }
0x7d: {  	_ =	shalt  }
0x7e: {  	_ =	shalt  }
0x7f: {  	_ =	shalt  }
0x80: {  	_ =	shalt  }
0x81: {  	_ =	shalt  }
0x82: {  	_ =	shalt  }
0x83: {  	_ =	shalt  }
0x84: {  	_ =	shalt  }
0x85: {  	_ =	shalt  }
0x86: {  	_ =	shalt  }
0x87: {  	_ =	shalt  }
.Lfunc_end0:
.L_simem_size_0:
called_computation_lowered:
.L_overlay_start_0:
0x88: {  	s2 =	sld [smem:$0x3FD9]  }
0x89: {  	s3 =	sld [smem:$0x3FFE];
	_ =	sdelay $0x1  }
0x8a: {  	s1 =	srdreg.scid  }
0x8b: {  	s0 =	sand.u32 $0x1, s1  }
0x8c: {  	s17 =	sshll.u32 s0, $0xA;
	s2 =	sadd.s32 s3, s2  }
0x8d: {  	s2 =	sadd.s32 s2, s17  }
0x8e: {  	[smem:$0x3FC4] =	sst s2  }
0x8f: {  	_ = 	snop  }
0x90: {  	s2 =	sld [smem:$0x3FC9]  }
0x91: {  	s18 =	sld [smem:$0x3FD0];
	(tm) =	ssettm $0x1  }
0x92: {  	s4 =	sld [smem:$0x3FFB];
	_ =	sdelay $0x3  }
0x93: {  	_ =	strace s4  }
0x94: {  	s4 =	sld [smem:$0x3FFC];
	_ =	sdelay $0x3  }
0x95: {  	_ =	strace s4  }
0x96: {  	s4 =	sld [smem:$0x3FFD];
	_ =	sdelay $0x3  }
0x97: {  	_ =	strace s4  }
0x98: {  	_ =	strace $0x8FFFFFFF  }
0x99: {  	s19 =	sld [smem:$0x3FDB];
	_ =	sdelay $0x1  }
0x9a: {  	s5 =	simm.s32 $_scs_section_size  }
0x9b: {  	s6 =	simm.s32 $_size__tile_overlayer_lowered;
	s7 =	simm.s32 $_tile_overlayer_lowered  }
0x9c: {  	s22 =	simm.s32 $0x1BFF;
	s21 =	sshll.u32 s7, $0x1;
	s4 =	sadd.s32 s5, s19  }
0x9d: {  	s8 =	simm.s32 $0x0;
	s20 =	sshll.u32 s6, $0x1;
	s6 =	sadd.s32 s21, s4  }
0x9e: {  	[timem:s8], [sflag:s22] =	dma.local [hbm:s6], s20  }
0x9f: {  	_ =	swait.ge [sflag:s22], s20  }
0xa0: {  	s5 =	ssub.s32 $0x0, s20;
	[sflag:s22] =	ssyncset.done $0x0  }
0xa1: {  	[sflag:s22] =	ssyncadd.s32 s5;
	_ =	sdelay $0x1  }
0xa2: {  	s23 =	simm.s32 $0x1B8B  }
0xa3: {  	_ =	swait.ge [sflag:s23], $0x1  }
0xa4: {  	[sflag:s23] =	ssyncset.done $0x0  }
0xa5: {  	s25 =	simm.s32 $0x1B8E;
	s24 =	sld [smem:$0x3FFE];
	[sflag:s23] =	ssyncadd.s32 $0xFFFFFFFF  }
0xa6: {  	s26 =	simm.s32 $execute0_lowered;
	[smem:$0x3FD2] =	sst s25  }
0xa7: {  	s6 =	sshll.u32 s26, $0x1;
	_ =	strace $0x80000046;
	[dreg:$0x1] =	wrdreg $0xFFFFFFFF  }
0xa8: {  	s28 =	simm.s32 $_size_execute0_lowered;
	s4 =	sadd.s32 s4, s6;
	[dreg:$0x0] =	wrdreg $0x0  }
0xa9: {  	s6 =	sshll.u32 s28, $0x1;
	[dreg:$0x2] =	wrdreg s4  }
0xaa: {  	[dreg:$0x3] =	wrdreg s6  }
0xab: {  	[dreg:$0x4] =	wrdreg $0xC0  }
0xac: {  	_ =	task [dreg:s8], $0x5FFFF  }
0xad: {  	[dreg:$0x1] =	wrdreg $0xFFFFFFFF  }
0xae: {  	[dreg:$0x0] =	wrdreg $0x60  }
0xaf: {  	[dreg:$0x2] =	wrdreg s2  }
0xb0: {  	[dreg:$0x3] =	wrdreg s18  }
0xb1: {  	[dreg:$0x4] =	wrdreg s24  }
0xb2: {  	[dreg:$0x5] =	wrdreg $0xAA800  }
0xb3: {  	[dreg:$0x6] =	wrdreg $0x1E6800  }
0xb4: {  	[dreg:$0x7] =	wrdreg $0x9  }
0xb5: {  	_ =	task.clear_ibuf [dreg:s8], $0x8FFFF;
	_ =	strace $0x90000046  }
0xb6: {  	s29 =	simm.s32 $0x9;
	_ =	strace $0x80000048  }
0xb7: {  	_ =	swait.ge [sflag:s29], $0x1  }
0xb8: {  	[sflag:s29] =	ssyncadd.s32 $0xFFFFFFFF  }
0xb9: {  	_ =	strace $0x90000048  }
0xba: {  	_ =	sfence  }
0xbb: {  	s30 =	sld [smem:$0x0];
	_ =	sdelay $0x2  }
0xbc: {  	s31 =	sshll.u32 s1, $0xD;
	s1 =	sshrl.u32 s1, $0x2  }
0xbd: {  	s3 =	sand.u32 $0x4000, s31;
	s1 =	sadd.s32 s1, s30  }
0xbe: {  	s0 =	sor.u32 s3, s0;
	s1 =	sshll.u32 s1, $0x11  }
0xbf: {  	s0 =	sor.u32 s1, s0  }
0xc0: {  	s0 =	sadd.s32 $0x8F2B, s0  }
0xc1: {  	[sflag:s0] =	ssyncadd.remote.s32 $0x1  }
0xc2: {  	_ =	sfence.sel $0xFFFF  }
0xc3: {  	[dreg:$0x0] =	wrdreg $0xFFFFFFFF;
	(pc) =	sbr.abs _section_cstart, $3  }
0xc4: {  	[dreg:$0x1] =	wrdreg $0xFFFFFFFF  }
0xc5: {  	_ =	task.clear_ibuf [dreg:s8], $0x2FFFF;
	_ =	strace $0x9FFFFFFF  }
0xc6: {  	(tm) =	ssettm $0x7FFFFFFF  }
0xc7: {  	_ =	shalt  }
tec
execute0_lowered:
.L_overlay_start_1:
0x0: {  	(tag) =	ssettag $0x1  }
0x1: {  	s1 =	rddreg [dreg:$0x0]  }
0x2: {  	s0 =	rddreg [dreg:$0x1]  }
0x3: {  	s5 =	rddreg [dreg:$0x2]  }
0x4: {  	s2 =	rddreg [dreg:$0x3]  }
0x5: {  	s3 =	rddreg [dreg:$0x4];
	s4 =	simm.s32 $0x0;
	s6 =	srdreg.scid  }
0x6: {  	s24 =	stileid.u32;
	s28 =	simm.s32 $0x80;
	s29 =	simm.s32 $0x3  }
0x7: {  	s30 =	simm.s32 $0x5;
	s31 =	simm.s32 $0x8280;
	[smem:$0x7FF] =	sst s4  }
0x8: {  	s7 =	sand.u32 $0x1, s6;
	s8 =	smul.u32 $0x4F000, s24;
	s9 =	sadd.s32 $0x1200, s5  }
0x9: {  	s11 =	sadd.s32 $0xB000, s5;
	s26 =	smul.u32 $0x4E00, s24;
	p2 =	seq.s32 s24, $0xF  }
0xa: {  	p1 =	sne.s32 s24, $0x0;
	s6 =	smul.u32 $0x500, s7;
	_ =	strace $0x80000047  }
0xb: {  	s10 =	ssub.s32 $0x2, s7;
	p0 =	seq.s32 s7, $0x1;
	s8 =	sshrl.u32 s8, $0x2  }
0xc: {  	p3 =	seq.s32 @!p2 s24, $0x1;
	s5 =	sadd.s32 s6, s5;
	s6 =	sadd.s32 s8, s2  }
0xd: {  	s25 =	sshrl.u32 s10, $0x1;
	p3 =	por !p3, p2;
	s13 =	sadd.s32 $0x4000, s6  }
0xe: {  	s12 =	ssub.s32 s10, s25;
	s14 =	sadd.s32 $0x8000, s6;
	[dreg:$0x6] =	wrdreg s13  }
0xf: {  	s8 =	sshrl.u32 s26, $0x3;
	s15 =	sadd.s32 $0xC000, s6;
	[dreg:$0x7] =	wrdreg s14  }
0x10: {  	s26 =	smul.u32 $0x9C0, s24;
	s16 =	sadd.s32 $0x10000, s6;
	[dreg:$0x8] =	wrdreg s15  }
0x11: {  	s17 =	sadd.s32 s0, s8;
	s18 =	sadd.s32 s9, s8;
	[dreg:$0x9] =	wrdreg s16  }
0x12: {  	s8 =	sor.u32 $0x10, s8;
	[dreg:$0xa] =	wrdreg s17;
	s13 =	smul.u32 $0x4E000, s24  }
0x13: {  	[dreg:$0xb] =	wrdreg s18;
	s14 =	sshll.u32 s24, $0x4;
	s15 =	smul.u32 $0x27100, s7  }
0x14: {  	s19 =	sadd.s32 s0, s8;
	s16 =	smul.u32 $0x2700, s24;
	s8 =	sadd.s32 s9, s8  }
0x15: {  	s7 =	smul.u32 $0x138800, s7;
	s18 =	sadd.s32 $0x59200, s5;
	[dreg:$0xc] =	wrdreg s19  }
0x16: {  	s5 =	simm.s32 $0x0;
	s14 =	sor.u32 $0x9C00, s14;
	[dreg:$0xd] =	wrdreg s8  }
0x17: {  	s20 =	sadd.s32 s0, s14;
	s21 =	sadd.s32 s9, s14;
	s22 =	sshrl.u32 s13, $0x2  }
0x18: {  	s23 =	sadd.s32 s16, s15;
	s7 =	sshrl.u32 s7, $0x3;
	s13 =	simm.s32 $0x100  }
0x19: {  	s14 =	simm.s32 $0x180;
	s15 =	simm.s32 $0x4;
	[dreg:$0xe] =	wrdreg s20  }
0x1a: {  	s16 =	simm.s32 $0x4280;
	[dreg:$0xf] =	wrdreg s21;
	s8 =	sadd.s32 s22, s2  }
.Ltmp0:
0x1b: {  	s17 =	sadd.s32 s11, s23;
	s25 =	sadd.s32 s11, s7;
	(pc) =	sbr.rel .LBB2_1-.Ltmp0, $4  }
0x1c: {  	s11 =	sadd.s32 $0x124800, s2;
	s20 =	smax.u32 s12, $0x1;
	s21 =	sadd.s32 s26, s9  }
0x1d: {  	v0 =	vlaneseq.u32;
	s22 =	sadd.s32 s26, s0;
	s23 =	simm.s32 $0x280;
	s26 =	simm.s32 $0x1  }
0x1e: {  	v1 =	vimm.f32 $0.0e+00;
	v6 =	vimm.f32 $1.000000000e+00;
	v2 =	vor.u32 $0x10, v0;
	s0 =	simm.s32 $0x7;
	s12 =	simm.s32 $0x2;
	s19 =	sadd.s32 $0x24900, s25  }
0x1f: {  	v3 =	vor.u32 $0x20, v0;
	v4 =	vor.u32 $0x30, v0;
	v5 =	vor.u32 $0x40, v0;
	s24 =	sshrl.u32 @p2 s11, $0x3;
	s25 =	sshrl.u32 @!p2 s8, $0x3;
	s11 =	simm.s32 $0x6  }
.LBB2_10:
0x20: {  	s7 =	rddreg [dreg:$0xe]  }
0x21: {  	[tilespmem:s4], [sflag:$0x3] =	stream.linear.gather [hbm4b:s7+s4], $0x80, $0x38;
	[tilespmem:$0x1E900] =	vst v63  }
0x22: {  	s10 =	rddreg [dreg:$0xf]  }
0x23: {  	[tilespmem:s28], [sflag:$0x5] =	stream.linear.gather [hbm4b:s10+s4], $0x80, $0x38;
	[tilespmem:$0x1E900] =	vst v63  }
0x24: {  	_ =	swait.ge [sflag:s29], $0x80  }
0x25: {  	[sflag:s29] =	ssyncset.done $0x0  }
0x26: {  	[sflag:s29] =	ssyncadd.s32 $0xFFFFFF80  }
0x27: {  	[tilespmem:s23], [sflag:$0x1] =	stream.indirect.gather [hbm4b:s1+s28], $0x80, s4, s28, $0xb8;
	[tilespmem:$0x1E900] =	vst v63  }
0x28: {  	_ =	swait.ge [sflag:s30], $0x80  }
0x29: {  	[sflag:s30] =	ssyncset.done $0x0  }
0x2a: {  	[sflag:s30] =	ssyncadd.s32 $0xFFFFFF80  }
0x2b: {  	v7 =	vld [tilespmem:$0x80];
	_ =	sdelay $0x7  }
0x2c: {  	[tilespmem:v7+s31+$0x0] =	vst.idx.add.f32.msk $0xffff, v6  }
0x2d: {  	v7 =	vld [tilespmem:$0x90];
	_ =	sdelay $0x7  }
0x2e: {  	[tilespmem:v7+s31+$0x0] =	vst.idx.add.f32.msk $0xffff, v6  }
0x2f: {  	v7 =	vld [tilespmem:$0xA0];
	_ =	sdelay $0x7  }
0x30: {  	[tilespmem:v7+s31+$0x0] =	vst.idx.add.f32.msk $0xffff, v6  }
0x31: {  	v7 =	vld [tilespmem:$0xB0];
	_ =	sdelay $0x7  }
0x32: {  	[tilespmem:v7+s31+$0x0] =	vst.idx.add.f32.msk $0xffff, v6  }
0x33: {  	v7 =	vld [tilespmem:$0xC0];
	_ =	sdelay $0x7  }
0x34: {  	[tilespmem:v7+s31+$0x0] =	vst.idx.add.f32.msk $0xffff, v6  }
0x35: {  	v7 =	vld [tilespmem:$0xD0];
	_ =	sdelay $0x7  }
0x36: {  	[tilespmem:v7+s31+$0x0] =	vst.idx.add.f32.msk $0xffff, v6  }
0x37: {  	v7 =	vld [tilespmem:$0xE0];
	_ =	sdelay $0x7  }
0x38: {  	[tilespmem:v7+s31+$0x0] =	vst.idx.add.f32.msk $0xffff, v6  }
0x39: {  	v7 =	vld [tilespmem:$0xF0];
	_ =	sdelay $0x7  }
0x3a: {  	[tilespmem:v7+s31+$0x0] =	vst.idx.add.f32.msk $0xffff, v6  }
0x3b: {  	_ =	swait.ge [sflag:s26], $0x4000  }
0x3c: {  	[sflag:s26] =	ssyncset.done $0x0  }
0x3d: {  	[sflag:s26] =	ssyncadd.s32 $0xFFFFC000  }
0x3e: {  	[spmem:s2] =	stream.indirect.scatter.add.f32 [tilespmem:s23], [sflag:$0x7], $0x80, s28, s28, $0xb8;
	[tilespmem:$0x1E900] =	vst v63  }
.LBB2_11:
0x3f: {  	_ =	swait.ge [sflag:s0], $0x4000  }
0x40: {  	[sflag:s0] =	ssyncset.done $0x0  }
0x41: {  	s7 =	simm.s32 $0x50;
	s8 =	simm.s32 $0x200;
	[sflag:s0] =	ssyncadd.s32 $0xFFFFC000  }
0x42: {  	[spmem:s3] =	stream.indirect.scatter.add.f32 [tilespmem:s31], [sflag:$0x7], $0x80, s8, s7, $0xb8;
	[tilespmem:$0x1E900] =	vst v63  }
0x43: {  	_ =	swait.ge [sflag:s0], $0x2800  }
0x44: {  	[sflag:s0] =	ssyncset.done $0x0  }
0x45: {  	[sflag:s0] =	ssyncadd.s32 $0xFFFFD800  }
0x46: {  	s7 =	simm.s32 @p2 $0x1FC7;
	[bflag:$0x0] =	sbarrier.arrive $0xFFFF  }
0x47: {  	[hbm:s19], [sflag:s7] =	dma.local @p2 [spmem:s24], $0x2800  }
0x48: {  	s7 =	simm.s32 @p2 $0x7  }
0x49: {  	s8 =	stileid.u32;
	_ =	swait.ge @p2 [sflag:s7], $0x2800  }
0x4a: {  	s8 =	sshll.u32 @!p2 s8, $0x6;
	[sflag:s7] =	ssyncset.done @p2 $0x0  }
0x4b: {  	[sflag:s7] =	ssyncadd.s32 @p2 $0xFFFFD800;
	s7 =	sor.u32 @!p2 $0x1C07, s8;
	s8 =	simm.s32 @!p2 $0x7  }
0x4c: {  	[hbm:s17], [sflag:s7] =	dma.local @!p2 [spmem:s25], $0x2700  }
0x4d: {  	_ =	swait.ge @!p2 [sflag:s8], $0x2700  }
0x4e: {  	s5 =	sadd.s32 $0x1, s5;
	[sflag:s8] =	ssyncset.done @!p2 $0x0  }
0x4f: {  	p4 =	sne.s32 s5, s20;
	[sflag:s8] =	ssyncadd.s32 @!p2 $0xFFFFD900;
	s8 =	sshrl.u32 @!p3 s3, $0x3  }
0x50: {  	[hbm:s18], [sflag:s7] =	dma.local @!p3 [spmem:s8], $0x500  }
.Ltmp1:
0x51: {  	_ = 	snop;
	(pc) =	sbr.rel @!p4 .LBB2_12-.Ltmp1, $4  }
0x52: {  	s7 =	simm.s32 @!p3 $0x7  }
0x53: {  	_ =	swait.ge @!p3 [sflag:s7], $0x500  }
0x54: {  	[sflag:s7] =	ssyncset.done @!p3 $0x0  }
0x55: {  	[sflag:s7] =	ssyncadd.s32 @!p3 $0xFFFFFB00  }
.LBB2_1:
0x56: {  	s7 =	simm.s32 $0x0;
	s8 =	simm.s32 $0x0  }
.LBB2_2:
0x57: {  	p4 =	sne.s32 s8, $0xFFC0  }
.Ltmp2:
0x58: {  	_ = 	snop;
	(pc) =	sbr.rel @p4 .LBB2_2-.Ltmp2, $4  }
0x59: {  	s9 =	sand.u32 $0xFE00, s8  }
0x5a: {  	s10 =	sand.u32 $0x70, s7;
	s9 =	sshrl.u32 s9, $0x2  }
0x5b: {  	s9 =	sor.u32 s10, s9  }
0x5c: {  	s7 =	sadd.s32 $0x10, s7;
	s8 =	sadd.s32 $0x40, s8;
	[tilespmem:s9+$0x280] =	vst v1  }
0x5d: {  	s7 =	simm.s32 $0x0  }
0x5e: {  	s8 =	sand.u32 $0xFE00, s7  }
0x5f: {  	s9 =	sand.u32 $0x70, s7;
	s10 =	sshrl.u32 s8, $0x2  }
0x60: {  	s8 =	simm.s32 $0x40;
	s9 =	sor.u32 s9, s10  }
.LBB2_4:
0x61: {  	p4 =	sne.s32 s8, $0x9FC0  }
0x62: {  	[tilespmem:s9+$0x8280] =	vst v1;
	s7 =	sadd.s32 $0x10, s7;
	s9 =	smov.u32 s8;
	s8 =	sadd.s32 $0x40, s8  }
.Ltmp3:
0x63: {  	(pc) =	sbr.rel @p4 .LBB2_4-.Ltmp3, $4  }
0x64: {  	_ = 	snop  }
0x65: {  	s9 =	sand.u32 $0xFE00, s9  }
0x66: {  	s10 =	sand.u32 $0x70, s7;
	s9 =	sshrl.u32 s9, $0x2  }
0x67: {  	s9 =	sor.u32 s10, s9  }
0x68: {  	[tilespmem:s9+$0x8280] =	vst v1  }
0x69: {  	[tilespmem:$0x200] =	vst v0  }
0x6a: {  	[tilespmem:$0x210] =	vst v2  }
0x6b: {  	[tilespmem:$0x220] =	vst v3  }
0x6c: {  	[tilespmem:$0x230] =	vst v4  }
0x6d: {  	[tilespmem:$0x240] =	vst v5  }
0x6e: {  	[spmem:s6] =	stream.linear.scatter [tilespmem:s23], [sflag:$0x1], $0x4000, $0x38;
	[tilespmem:$0x1E900] =	vst v63  }
0x6f: {  	s7 =	rddreg [dreg:$0x6]  }
0x70: {  	[spmem:s7] =	stream.linear.scatter [tilespmem:s23], [sflag:$0x1], $0x4000, $0x38;
	[tilespmem:$0x1E900] =	vst v63  }
0x71: {  	s8 =	rddreg [dreg:$0x7]  }
0x72: {  	[spmem:s8] =	stream.linear.scatter [tilespmem:s23], [sflag:$0x1], $0x4000, $0x38;
	[tilespmem:$0x1E900] =	vst v63  }
0x73: {  	s9 =	rddreg [dreg:$0x8]  }
0x74: {  	[spmem:s9] =	stream.linear.scatter [tilespmem:s23], [sflag:$0x1], $0x4000, $0x38;
	[tilespmem:$0x1E900] =	vst v63  }
0x75: {  	s10 =	rddreg [dreg:$0x9]  }
0x76: {  	[spmem:s10] =	stream.linear.scatter [tilespmem:s23], [sflag:$0x1], $0x3C00, $0x38;
	[tilespmem:$0x1E900] =	vst v63  }
0x77: {  	_ =	swait.ge [sflag:s26], $0x4000  }
0x78: {  	[sflag:s26] =	ssyncset.done $0x0  }
0x79: {  	[sflag:s26] =	ssyncadd.s32 $0xFFFFC000  }
0x7a: {  	_ =	swait.ge [sflag:s26], $0x4000  }
0x7b: {  	[sflag:s26] =	ssyncset.done $0x0  }
0x7c: {  	[sflag:s26] =	ssyncadd.s32 $0xFFFFC000  }
0x7d: {  	_ =	swait.ge [sflag:s26], $0x4000  }
0x7e: {  	[sflag:s26] =	ssyncset.done $0x0  }
0x7f: {  	[sflag:s26] =	ssyncadd.s32 $0xFFFFC000  }
0x80: {  	_ =	swait.ge [sflag:s26], $0x4000  }
0x81: {  	[sflag:s26] =	ssyncset.done $0x0  }
0x82: {  	[sflag:s26] =	ssyncadd.s32 $0xFFFFC000  }
0x83: {  	_ =	swait.ge [sflag:s26], $0x3C00  }
0x84: {  	[sflag:s26] =	ssyncset.done $0x0  }
0x85: {  	s7 =	simm.s32 @!p1 $0x280;
	[sflag:s26] =	ssyncadd.s32 $0xFFFFC400  }
0x86: {  	[spmem:s3] =	stream.linear.scatter @!p1 [tilespmem:s7], [sflag:$0x7], $0x2800, $0x38;
	[tilespmem:$0x1E900] =	vst v63  }
0x87: {  	s7 =	simm.s32 @!p1 $0x7  }
.Ltmp4:
0x88: {  	_ =	swait.ge @!p1 [sflag:s7], $0x2800;
	(pc) =	sbr.rel @p0 .LBB2_10-.Ltmp4, $3  }
0x89: {  	[sflag:s7] =	ssyncset.done @!p1 $0x0  }
0x8a: {  	[sflag:s7] =	ssyncadd.s32 @!p1 $0xFFFFD800  }
0x8b: {  	[bflag:$0x0] =	sbarrier.arrive $0xFFFF;
	_ =	sdelay $0x1  }
0x8c: {  	s7 =	rddreg [dreg:$0xa]  }
0x8d: {  	[tilespmem:s4], [sflag:$0x3] =	stream.linear.gather [hbm4b:s7+s4], $0x80, $0x38;
	[tilespmem:$0x1E900] =	vst v63  }
0x8e: {  	s8 =	rddreg [dreg:$0xb]  }
0x8f: {  	[tilespmem:s28], [sflag:$0x5] =	stream.linear.gather [hbm4b:s8+s4], $0x80, $0x38;
	[tilespmem:$0x1E900] =	vst v63  }
0x90: {  	s9 =	rddreg [dreg:$0xc]  }
0x91: {  	[tilespmem:s13], [sflag:$0x4] =	stream.linear.gather [hbm4b:s9+s4], $0x80, $0x38;
	[tilespmem:$0x1E900] =	vst v63  }
0x92: {  	s10 =	rddreg [dreg:$0xd]  }
0x93: {  	[tilespmem:s14], [sflag:$0x6] =	stream.linear.gather [hbm4b:s10+s4], $0x80, $0x38;
	[tilespmem:$0x1E900] =	vst v63  }
0x94: {  	_ =	swait.ge [sflag:s29], $0x80  }
0x95: {  	[sflag:s29] =	ssyncset.done $0x0  }
0x96: {  	[sflag:s29] =	ssyncadd.s32 $0xFFFFFF80  }
0x97: {  	[tilespmem:s23], [sflag:$0x1] =	stream.indirect.gather [hbm4b:s1+s28], $0x80, s4, s28, $0xb8;
	[tilespmem:$0x1E900] =	vst v63  }
0x98: {  	_ =	swait.ge [sflag:s15], $0x80  }
0x99: {  	[sflag:s15] =	ssyncset.done $0x0  }
0x9a: {  	s7 =	simm.s32 $0xFFFFF660;
	[sflag:s15] =	ssyncadd.s32 $0xFFFFFF80  }
0x9b: {  	[tilespmem:s16], [sflag:$0x2] =	stream.indirect.gather [hbm4b:s1+s28], $0x80, s13, s28, $0xb8;
	[tilespmem:$0x1E900] =	vst v63  }
.LBB2_7:
0x9c: {  	_ =	swait.ge [sflag:s30], $0x80  }
0x9d: {  	[sflag:s30] =	ssyncset.done $0x0  }
0x9e: {  	[sflag:s30] =	ssyncadd.s32 $0xFFFFFF80  }
0x9f: {  	v7 =	vld [tilespmem:$0x80];
	_ =	sdelay $0x7  }
0xa0: {  	[tilespmem:v7+s31+$0x0] =	vst.idx.add.f32.msk $0xffff, v6  }
0xa1: {  	v7 =	vld [tilespmem:$0x90];
	_ =	sdelay $0x7  }
0xa2: {  	[tilespmem:v7+s31+$0x0] =	vst.idx.add.f32.msk $0xffff, v6  }
0xa3: {  	v7 =	vld [tilespmem:$0xA0];
	_ =	sdelay $0x7  }
0xa4: {  	[tilespmem:v7+s31+$0x0] =	vst.idx.add.f32.msk $0xffff, v6  }
0xa5: {  	v7 =	vld [tilespmem:$0xB0];
	_ =	sdelay $0x7  }
0xa6: {  	[tilespmem:v7+s31+$0x0] =	vst.idx.add.f32.msk $0xffff, v6  }
0xa7: {  	v7 =	vld [tilespmem:$0xC0];
	_ =	sdelay $0x7  }
0xa8: {  	[tilespmem:v7+s31+$0x0] =	vst.idx.add.f32.msk $0xffff, v6  }
0xa9: {  	v7 =	vld [tilespmem:$0xD0];
	_ =	sdelay $0x7  }
0xaa: {  	[tilespmem:v7+s31+$0x0] =	vst.idx.add.f32.msk $0xffff, v6  }
0xab: {  	v7 =	vld [tilespmem:$0xE0];
	_ =	sdelay $0x7  }
0xac: {  	[tilespmem:v7+s31+$0x0] =	vst.idx.add.f32.msk $0xffff, v6  }
0xad: {  	v7 =	vld [tilespmem:$0xF0];
	_ =	sdelay $0x7  }
0xae: {  	[tilespmem:v7+s31+$0x0] =	vst.idx.add.f32.msk $0xffff, v6  }
0xaf: {  	p4 =	seq.s32 s7, $0x0;
	_ =	swait.ge [sflag:s26], $0x4000  }
0xb0: {  	s8 =	sadd.s32 @!p4 s7, s22;
	[sflag:s26] =	ssyncset.done $0x0  }
0xb1: {  	s9 =	simm.s32 @!p4 $0x0;
	s8 =	sadd.s32 @!p4 $0x9C0, s8;
	[sflag:s26] =	ssyncadd.s32 $0xFFFFC000  }
0xb2: {  	[tilespmem:s9], [sflag:$0x3] =	stream.linear.gather @!p4 [hbm4b:s8+s9], $0x80, $0x38;
	[tilespmem:$0x1E900] =	vst v63  }
0xb3: {  	_ = 	snop  }
0xb4: {  	[spmem:s2] =	stream.indirect.scatter.add.f32 [tilespmem:s23], [sflag:$0x7], $0x80, s28, s28, $0xb8;
	[tilespmem:$0x1E900] =	vst v63  }
0xb5: {  	_ =	swait.ge [sflag:s0], $0x4000  }
0xb6: {  	s8 =	sadd.s32 @!p4 s7, s21;
	[sflag:s0] =	ssyncset.done $0x0  }
0xb7: {  	s10 =	simm.s32 @!p4 $0x80;
	s8 =	sadd.s32 @!p4 $0x9C0, s8;
	[sflag:s0] =	ssyncadd.s32 $0xFFFFC000  }
0xb8: {  	[tilespmem:s10], [sflag:$0x5] =	stream.linear.gather @!p4 [hbm4b:s8+s9], $0x80, $0x38;
	[tilespmem:$0x1E900] =	vst v63  }
0xb9: {  	s8 =	simm.s32 @!p4 $0x3  }
0xba: {  	_ =	swait.ge @!p4 [sflag:s8], $0x80  }
0xbb: {  	[sflag:s8] =	ssyncset.done @!p4 $0x0  }
0xbc: {  	[sflag:s8] =	ssyncadd.s32 @!p4 $0xFFFFFF80;
	s8 =	simm.s32 @!p4 $0x280  }
0xbd: {  	[tilespmem:s8], [sflag:$0x1] =	stream.indirect.gather @!p4 [hbm4b:s1+s10], $0x80, s9, s10, $0xb8;
	[tilespmem:$0x1E900] =	vst v63  }
0xbe: {  	_ =	swait.ge [sflag:s11], $0x80  }
0xbf: {  	[sflag:s11] =	ssyncset.done $0x0  }
0xc0: {  	[sflag:s11] =	ssyncadd.s32 $0xFFFFFF80  }
0xc1: {  	v7 =	vld [tilespmem:$0x180];
	_ =	sdelay $0x7  }
0xc2: {  	[tilespmem:v7+s31+$0x0] =	vst.idx.add.f32.msk $0xffff, v6  }
0xc3: {  	v7 =	vld [tilespmem:$0x190];
	_ =	sdelay $0x7  }
0xc4: {  	[tilespmem:v7+s31+$0x0] =	vst.idx.add.f32.msk $0xffff, v6  }
0xc5: {  	v7 =	vld [tilespmem:$0x1A0];
	_ =	sdelay $0x7  }
0xc6: {  	[tilespmem:v7+s31+$0x0] =	vst.idx.add.f32.msk $0xffff, v6  }
0xc7: {  	v7 =	vld [tilespmem:$0x1B0];
	_ =	sdelay $0x7  }
0xc8: {  	[tilespmem:v7+s31+$0x0] =	vst.idx.add.f32.msk $0xffff, v6  }
0xc9: {  	v7 =	vld [tilespmem:$0x1C0];
	_ =	sdelay $0x7  }
0xca: {  	[tilespmem:v7+s31+$0x0] =	vst.idx.add.f32.msk $0xffff, v6  }
0xcb: {  	v7 =	vld [tilespmem:$0x1D0];
	_ =	sdelay $0x7  }
0xcc: {  	[tilespmem:v7+s31+$0x0] =	vst.idx.add.f32.msk $0xffff, v6  }
0xcd: {  	v7 =	vld [tilespmem:$0x1E0];
	_ =	sdelay $0x7  }
0xce: {  	[tilespmem:v7+s31+$0x0] =	vst.idx.add.f32.msk $0xffff, v6  }
0xcf: {  	v7 =	vld [tilespmem:$0x1F0];
	_ =	sdelay $0x6  }
.Ltmp5:
0xd0: {  	_ = 	snop;
	(pc) =	sbr.rel @p4 .LBB2_9-.Ltmp5, $4  }
0xd1: {  	[tilespmem:v7+s31+$0x0] =	vst.idx.add.f32.msk $0xffff, v6  }
0xd2: {  	_ =	swait.ge [sflag:s12], $0x4000  }
0xd3: {  	[sflag:s12] =	ssyncset.done $0x0  }
0xd4: {  	[sflag:s12] =	ssyncadd.s32 $0xFFFFC000  }
0xd5: {  	s8 =	sadd.s32 s7, s22  }
0xd6: {  	s8 =	sadd.s32 $0x9D0, s8  }
0xd7: {  	[tilespmem:s13], [sflag:$0x4] =	stream.linear.gather [hbm4b:s8+s4], $0x80, $0x38;
	[tilespmem:$0x1E900] =	vst v63  }
0xd8: {  	_ = 	snop  }
0xd9: {  	[spmem:s2] =	stream.indirect.scatter.add.f32 [tilespmem:s16], [sflag:$0x7], $0x80, s14, s28, $0xb8;
	[tilespmem:$0x1E900] =	vst v63  }
0xda: {  	_ =	swait.ge [sflag:s0], $0x4000  }
0xdb: {  	s10 =	sadd.s32 s7, s21;
	[sflag:s0] =	ssyncset.done $0x0  }
0xdc: {  	s8 =	sadd.s32 $0x9D0, s10;
	[sflag:s0] =	ssyncadd.s32 $0xFFFFC000  }
0xdd: {  	[tilespmem:s14], [sflag:$0x6] =	stream.linear.gather [hbm4b:s8+s4], $0x80, $0x38;
	[tilespmem:$0x1E900] =	vst v63  }
.Ltmp6:
0xde: {  	_ = 	snop;
	(pc) =	sbr.rel .LBB2_7-.Ltmp6, $4  }
0xdf: {  	_ =	swait.ge [sflag:s15], $0x80  }
0xe0: {  	[sflag:s15] =	ssyncset.done $0x0  }
0xe1: {  	s7 =	sadd.s32 $0x20, s7;
	[sflag:s15] =	ssyncadd.s32 $0xFFFFFF80  }
0xe2: {  	[tilespmem:s16], [sflag:$0x2] =	stream.indirect.gather [hbm4b:s1+s28], $0x80, s13, s28, $0xb8;
	[tilespmem:$0x1E900] =	vst v63  }
.LBB2_9:
.Ltmp7:
0xe3: {  	(pc) =	sbr.rel .LBB2_11-.Ltmp7, $2  }
0xe4: {  	_ =	sdelay $0x2  }
0xe5: {  	[spmem:s2] =	stream.indirect.scatter.add.f32 [tilespmem:s16], [sflag:$0x7], $0x80, s14, s28, $0xb8;
	[tilespmem:$0x1E900] =	vst v63  }
.LBB2_12:
0xe6: {  	_ =	sfence.sel $0x180000  }
0xe7: {  	[bflag:$0x0] =	sbarrier.arrive $0xFFFF  }
0xe8: {  	_ =	strace $0x90000047  }
0xe9: {  	[bflag:$0x2] =	sbarrier.arrive $0xFFFF  }
0xea: {  	s0 =	rddreg [dreg:$0x5]  }
0xeb: {  	s0 =	sadd.s32 @!p1 $0x100000, s0  }
0xec: {  	[sflag:s0] =	ssyncadd.tile.s32 @!p1 $0x1;
	_ =	shalt  }
.Lfunc_end2:
_tile_overlayer_lowered:
.L_overlay_start_2:
0xed: {  	(tag) =	ssettag $0x2  }
0xee: {  	s0 =	rddreg [dreg:$0x0];
	s2 =	stileid.u32  }
0xef: {  	s1 =	rddreg [dreg:$0x1];
	p0 =	sne.s32 s2, $0x0  }
0xf0: {  	s3 =	rddreg [dreg:$0x2];
	[bflag:$0x3] =	sbarrier.arrive $0xFFFF;
	s2 =	simm.s32 @!p0 $0x1C07  }
0xf1: {  	[timem:s3], [sflag:s2] =	dma.local @!p0 [hbm:s0], s1  }
0xf2: {  	s0 =	simm.s32 @!p0 $0x7  }
0xf3: {  	_ =	swait.ge @!p0 [sflag:s0], s1  }
0xf4: {  	s1 =	ssub.s32 @!p0 $0x0, s1;
	[sflag:s0] =	ssyncset.done @!p0 $0x0  }
0xf5: {  	[sflag:s0] =	ssyncadd.s32 @!p0 s1  }
0xf6: {  	[bflag:$0x3] =	sbarrier.arrive $0xFFFF  }
0xf7: {  	_ =	shalt  }

</sc_bundles>
